<compile_context>
chip_gen: v7x
topology: tpu7x:2x2x1
jax: 0.10.2.dev20260603
libtpu: 0.0.44.dev20260713+nightly
codegen_flags: <defaults>
</compile_context>

<pallas_src>
import functools

import jax
import jax.numpy as jnp
from jax import lax
from jax.experimental import pallas as pl
from jax.experimental.pallas import tpu as pltpu
from jax.experimental.pallas import tpu_sc as plsc

N = 10000
E = 320000
D = 128

NC = 2
NS = 16
NW = NC * NS
CHUNK = 128
CPW = 79
EPAD = NW * CPW * CHUNK
CA = 101
CB = 56
EPAD2 = NS * (CA + CB) * CHUNK
Q = 128
QPT = Q // NS
NPAD = 10240
RPT = NPAD // NS
DEGW = 8

BLK = 1000
GRID = N // BLK

_HIGHEST = jax.lax.Precision.HIGHEST



def _sc_mesh():
    return plsc.VectorSubcoreMesh(core_axis_name="c", subcore_axis_name="s")


def _deg_body(eye_hbm, dstr_hbm, dstq_hbm, zeros_hbm, out_hbm,
              r_v, q_v, rows_v, deg_sh, gsem):
    cid = lax.axis_index("c")
    sid = lax.axis_index("s")
    wid = cid * NS + sid
    pltpu.sync_copy(zeros_hbm, deg_sh.at[pl.ds(sid * QPT, QPT)])
    pltpu.sync_copy(dstr_hbm.at[wid], r_v)
    pltpu.sync_copy(dstq_hbm.at[wid], q_v)
    plsc.subcore_barrier()

    def body(j, carry):
        pltpu.async_copy(eye_hbm.at[r_v.at[j]], rows_v, gsem).wait()
        pltpu.sync_copy(rows_v, deg_sh.at[q_v.at[j]], add=True)
        return carry

    lax.fori_loop(0, CPW, body, 0)
    plsc.subcore_barrier()
    pltpu.sync_copy(deg_sh.at[pl.ds(sid * QPT, QPT)],
                    out_hbm.at[cid, pl.ds(sid * QPT, QPT)])


_deg_call = functools.partial(
    pl.kernel,
    out_type=jax.ShapeDtypeStruct((NC, Q, CHUNK), jnp.float32),
    mesh=_sc_mesh(),
    scratch_types=[
        pltpu.VMEM((CPW, CHUNK), jnp.int32),
        pltpu.VMEM((CPW, CHUNK), jnp.int32),
        pltpu.VMEM((CHUNK, CHUNK), jnp.float32),
        pltpu.VMEM_SHARED((Q, CHUNK), jnp.float32),
        pltpu.SemaphoreType.DMA,
    ],
)(_deg_body)


def _agg_body(h_hbm, srcp_hbm, dstp_hbm, zeros_hbm, out_hbm,
              src_v, dst_v, rows_v, acc_sh, gsem):
    cid = lax.axis_index("c")
    sid = lax.axis_index("s")
    wid = cid * NS + sid
    pltpu.sync_copy(zeros_hbm, acc_sh.at[pl.ds(sid * RPT, RPT)])
    pltpu.sync_copy(srcp_hbm.at[wid], src_v)
    pltpu.sync_copy(dstp_hbm.at[wid], dst_v)
    plsc.subcore_barrier()

    def body(j, carry):
        @pl.when(jnp.logical_or(cid == 0, j < CB))
        def _():
            pltpu.async_copy(h_hbm.at[src_v.at[j]], rows_v, gsem).wait()
            pltpu.sync_copy(rows_v, acc_sh.at[dst_v.at[j]], add=True)

        return carry

    lax.fori_loop(0, CA, body, 0)
    plsc.subcore_barrier()
    pltpu.sync_copy(acc_sh.at[pl.ds(sid * RPT, RPT)],
                    out_hbm.at[cid, pl.ds(sid * RPT, RPT)])


_agg_call = functools.partial(
    pl.kernel,
    out_type=jax.ShapeDtypeStruct((NC, NPAD, D), jnp.float32),
    mesh=_sc_mesh(),
    scratch_types=[
        pltpu.VMEM((CA, CHUNK), jnp.int32),
        pltpu.VMEM((CA, CHUNK), jnp.int32),
        pltpu.VMEM((CHUNK, D), jnp.float32),
        pltpu.VMEM_SHARED((NPAD, D), jnp.float32),
        pltpu.SemaphoreType.DMA,
    ],
)(_agg_body)



def _tc0_body(x_ref, degp_ref, tab_ref, w0_ref, h0p_ref, dinv_ref):
    deg = degp_ref[0, 0] + degp_ref[1, 0] + 1.0
    dinv = lax.rsqrt(deg)
    dinv_ref[0] = dinv
    xv = x_ref[0]
    z = jnp.zeros((BLK, D), jnp.float32)
    for t in range(6):
        z = z + jnp.where(xv == t, tab_ref[t:t + 1, :], 0.0)
    h0 = jnp.dot(z, w0_ref[...], preferred_element_type=jnp.float32,
                 precision=_HIGHEST)
    h0p_ref[...] = dinv * h0


def _tc1_body(acc_ref, hp_ref, dinv_ref, w_ref, b_ref, out_ref):
    dinv = dinv_ref[0]
    s = acc_ref[0] + acc_ref[1] + hp_ref[...]
    z1 = jnp.maximum(dinv * s + b_ref[...], 0.0)
    h1 = jnp.dot(z1, w_ref[...], preferred_element_type=jnp.float32,
                 precision=_HIGHEST)
    out_ref[...] = dinv * h1


def _tc2_body(acc_ref, hp_ref, dinv_ref, b_ref, pw1_ref, pb1_ref,
              pw2_ref, pb2_ref, z2_ref, proj_ref):
    dinv = dinv_ref[0]
    s = acc_ref[0] + acc_ref[1] + hp_ref[...]
    z2 = jnp.maximum(dinv * s + b_ref[...], 0.0)
    z2_ref[...] = z2
    p1 = jnp.maximum(
        jnp.dot(z2, pw1_ref[...], preferred_element_type=jnp.float32,
                precision=_HIGHEST) + pb1_ref[...], 0.0)
    proj_ref[...] = (
        jnp.dot(p1, pw2_ref[...], preferred_element_type=jnp.float32,
                precision=_HIGHEST) + pb2_ref[...])


def _full(shape):
    return pl.BlockSpec(shape, lambda i: tuple(0 for _ in shape))


def _tc0_call(x3, degp4, tab, w0):
    return pl.pallas_call(
        _tc0_body,
        grid=(GRID,),
        in_specs=[
            pl.BlockSpec((1, BLK, 1), lambda i: (i, 0, 0)),
            pl.BlockSpec((2, 1, BLK, 1), lambda i: (0, i, 0, 0)),
            _full((8, D)),
            _full((D, D)),
        ],
        out_specs=[
            pl.BlockSpec((BLK, D), lambda i: (i, 0)),
            pl.BlockSpec((1, BLK, 1), lambda i: (i, 0, 0)),
        ],
        out_shape=[
            jax.ShapeDtypeStruct((N, D), jnp.float32),
            jax.ShapeDtypeStruct((GRID, BLK, 1), jnp.float32),
        ],
    )(x3, degp4, tab, w0)


def _tc1_call(acc, hp, dinv3, w, b2):
    return pl.pallas_call(
        _tc1_body,
        grid=(GRID,),
        in_specs=[
            pl.BlockSpec((2, BLK, D), lambda i: (0, i, 0)),
            pl.BlockSpec((BLK, D), lambda i: (i, 0)),
            pl.BlockSpec((1, BLK, 1), lambda i: (i, 0, 0)),
            _full((D, D)),
            _full((1, D)),
        ],
        out_specs=pl.BlockSpec((BLK, D), lambda i: (i, 0)),
        out_shape=jax.ShapeDtypeStruct((N, D), jnp.float32),
    )(acc, hp, dinv3, w, b2)


def _tc2_call(acc, hp, dinv3, b2, pw1, pb1, pw2, pb2):
    return pl.pallas_call(
        _tc2_body,
        grid=(GRID,),
        in_specs=[
            pl.BlockSpec((2, BLK, D), lambda i: (0, i, 0)),
            pl.BlockSpec((BLK, D), lambda i: (i, 0)),
            pl.BlockSpec((1, BLK, 1), lambda i: (i, 0, 0)),
            _full((1, D)),
            _full((D, D)),
            _full((1, D)),
            _full((D, D)),
            _full((1, D)),
        ],
        out_specs=[
            pl.BlockSpec((BLK, D), lambda i: (i, 0)),
            pl.BlockSpec((BLK, D), lambda i: (i, 0)),
        ],
        out_shape=[
            jax.ShapeDtypeStruct((N, D), jnp.float32),
            jax.ShapeDtypeStruct((N, D), jnp.float32),
        ],
    )(acc, hp, dinv3, b2, pw1, pb1, pw2, pb2)



def kernel(x, edge_index, node_type_embed, edge_type_embed,
           W0, b0, W1, b1, pW1, pb1, pW2, pb2):
    del edge_type_embed

    src = edge_index[0]
    dst = edge_index[1]
    pad = EPAD - E
    dstp = jnp.concatenate([dst, jnp.full((pad,), N, jnp.int32)])
    dstp = dstp.reshape(NW, CPW, CHUNK)
    dstr = jnp.remainder(dstp, CHUNK)
    dstq = dstp // CHUNK

    def _asym(a, fill):
        flat = jnp.concatenate([a, jnp.full((EPAD2 - E,), fill, jnp.int32)])
        cut = NS * CA * CHUNK
        p0 = flat[:cut].reshape(NS, CA, CHUNK)
        p1 = flat[cut:].reshape(NS, CB, CHUNK)
        p1 = jnp.pad(p1, ((0, 0), (0, CA - CB), (0, 0)),
                     constant_values=fill)
        return jnp.concatenate([p0, p1], axis=0)

    srcp_a = _asym(src, 0)
    dstp_a = _asym(dst, N)

    eye = jnp.eye(CHUNK, dtype=jnp.float32)
    zerosQ = jnp.zeros((QPT, CHUNK), jnp.float32)
    zerosD = jnp.zeros((RPT, D), jnp.float32)
    tab8 = jnp.zeros((8, D), jnp.float32).at[:6].set(node_type_embed)
    x3 = x.reshape(GRID, BLK, 1)
    b0r = b0.reshape(1, D)
    b1r = b1.reshape(1, D)
    pb1r = pb1.reshape(1, D)
    pb2r = pb2.reshape(1, D)

    degp = _deg_call(eye, dstr, dstq, zerosQ)
    degp4 = degp.reshape(NC, Q * CHUNK)[:, :N].reshape(2, GRID, BLK, 1)

    h0p, dinv3 = _tc0_call(x3, degp4, tab8, W0)

    acc0 = _agg_call(h0p, srcp_a, dstp_a, zerosD)

    h1p = _tc1_call(acc0, h0p, dinv3, W1, b0r)

    acc1 = _agg_call(h1p, srcp_a, dstp_a, zerosD)

    z2, proj = _tc2_call(acc1, h1p, dinv3, b1r, pW1, pb1r, pW2, pb2r)
    return (z2, proj)

# --- scband reference (transcript-rebuilt; emitter-appended) ---
"""Pipeline reference for scband-custom-conv-39402029974116 (READ-ONLY COPY).

The authoritative reference and input builder live on the scoring server;
editing this copy changes nothing except your own understanding.
"""

import jax, jax.numpy as jnp
import numpy as np

N = 10000
E = 320000
D = 128


def setup_inputs(seed: int = 0) -> dict:
    key = jax.random.key(seed)
    ks = jax.random.split(key, 12)
    inp = {
        "x": jax.random.randint(ks[0], (N,), 0, 6, dtype=jnp.int32),
        "edge_index": jax.random.randint(ks[1], (2, E), 0, N, dtype=jnp.int32),
        "node_type_embed": jax.random.normal(ks[2], (6, D), jnp.float32) * 0.02,
        "edge_type_embed": jax.random.normal(ks[3], (8, D), jnp.float32) * 0.02,
        "W0": jax.random.normal(ks[4], (D, D), jnp.float32) / np.sqrt(D),
        "b0": jnp.zeros((D,), jnp.float32),
        "W1": jax.random.normal(ks[5], (D, D), jnp.float32) / np.sqrt(D),
        "b1": jnp.zeros((D,), jnp.float32),
        "pW1": jax.random.normal(ks[6], (D, D), jnp.float32) / np.sqrt(D),
        "pb1": jnp.zeros((D,), jnp.float32),
        "pW2": jax.random.normal(ks[7], (D, D), jnp.float32) / np.sqrt(D),
        "pb2": jnp.zeros((D,), jnp.float32),
    }
    return inp


def _gcn_conv(z, src, dst, W, b):
    # Faithful PyG GCNConv: linear -> add self loops -> symmetric norm -> scatter-add to dst -> bias
    n = z.shape[0]
    h = z @ W
    loop = jnp.arange(n, dtype=src.dtype)
    src2 = jnp.concatenate([src, loop])
    dst2 = jnp.concatenate([dst, loop])
    deg = jax.ops.segment_sum(jnp.ones(src2.shape[0], jnp.float32), dst2, num_segments=n)
    dinv = jnp.where(deg > 0, 1.0 / jnp.sqrt(deg), 0.0)
    norm = dinv[src2] * dinv[dst2]
    out = jax.ops.segment_sum(norm[:, None] * h[src2], dst2, num_segments=n)
    return out + b


def reference(x, edge_index, node_type_embed, edge_type_embed, W0, b0, W1, b1, pW1, pb1, pW2, pb2):
    # z = node_type_embed(batch.x).squeeze(); ze = edge_type_embed(batch.x).squeeze()
    z = jnp.take(node_type_embed, x, axis=0)
    ze = jnp.take(edge_type_embed, x, axis=0)  # computed as in original forward; unused for model='gcn'
    del ze
    src = edge_index[0]
    dst = edge_index[1]
    # layer 0 (use_bn=False, dropout=0.0)
    z = jax.nn.relu(_gcn_conv(z, src, dst, W0, b0))
    # layer 1
    z = jax.nn.relu(_gcn_conv(z, src, dst, W1, b1))
    # projection head: Linear -> ReLU -> Dropout(0) -> Linear
    proj = jax.nn.relu(z @ pW1 + pb1) @ pW2 + pb2
    return (z, proj)

if __name__ == "__main__":
    import jax
    _d = setup_inputs()
    print(jax.jit(kernel)(*tuple(_d.values())))

</pallas_src>

<mosaic_0001>
#map = affine_map<(d0, d1) -> (0, 0)>
#map1 = affine_map<(d0, d1) -> (0, 0, 0)>
module attributes {stable_mosaic.version = 14 : i64} {
  func.func @_deg_body(%arg0: i32, %arg1: i32, %arg2: memref<128x128xf32, #tpu.memory_space<hbm>>, %arg3: memref<32x79x128xi32, #tpu.memory_space<hbm>>, %arg4: memref<32x79x128xi32, #tpu.memory_space<hbm>>, %arg5: memref<8x128xf32, #tpu.memory_space<hbm>>, %arg6: memref<2x128x128xf32, #tpu.memory_space<hbm>>, %arg7: memref<79x128xi32, #tpu.memory_space<vmem>>, %arg8: memref<79x128xi32, #tpu.memory_space<vmem>>, %arg9: memref<128x128xf32, #tpu.memory_space<vmem>>, %arg10: memref<128x128xf32, #tpu.memory_space<vmem_shared>>, %arg11: memref<!tpu.dma_semaphore, #tpu.memory_space<semaphore_mem>>) attributes {dimension_semantics = [#tpu.dimension_semantics<core_parallel>, #tpu.dimension_semantics<subcore_parallel>], iteration_bounds = array<i64: 2, 16>, scalar_prefetch = 0 : i64, scratch_operands = 5 : i64, tpu.core_type = #tpu.core_type<sc_vector_subcore>, window_params = [{transform_indices = #map}, {transform_indices = #map1}, {transform_indices = #map1}, {transform_indices = #map}, {transform_indices = #map1}]} {
    %mul3A = arith.constant 16 : i32
    %mul3A_0 = arith.muli %arg0, %mul3A : i32
    %add3A = arith.addi %mul3A_0, %arg1 : i32
    %mul3A_1 = arith.constant 8 : i32
    %mul3A_2 = arith.muli %arg1, %mul3A_1 : i32
    "tpu.region"() ({
      %run_scoped3A = tpu.sem_alloc : memref<!tpu.dma_semaphore, #tpu.memory_space<semaphore_mem>>
      %dma_start3A = arith.constant 0 : i32
      %dma_start3A_13 = tpu.memref_slice %arg10[%mul3A_2, %dma_start3A] : memref<128x128xf32, #tpu.memory_space<vmem_shared>> -> memref<8x128xf32, #tpu.memory_space<vmem_shared>>
      tpu.enqueue_dma source(%arg5 : memref<8x128xf32, #tpu.memory_space<hbm>>) target(%dma_start3A_13 : memref<8x128xf32, #tpu.memory_space<vmem_shared>>) target_semaphore(%run_scoped3A : memref<!tpu.dma_semaphore, #tpu.memory_space<semaphore_mem>>)
      %dma_wait3A = arith.constant 0 : i32
      %dma_wait3A_14 = tpu.memref_slice %arg10[%mul3A_2, %dma_wait3A] : memref<128x128xf32, #tpu.memory_space<vmem_shared>> -> memref<8x128xf32, #tpu.memory_space<vmem_shared>>
      tpu.wait_dma2 semaphore(%run_scoped3A : memref<!tpu.dma_semaphore, #tpu.memory_space<semaphore_mem>>) src(%arg5 : memref<8x128xf32, #tpu.memory_space<hbm>>) dst(%dma_wait3A_14 : memref<8x128xf32, #tpu.memory_space<vmem_shared>>)
      tpu.yield
    }) : () -> ()
    "tpu.region"() ({
      %run_scoped3A = tpu.sem_alloc : memref<!tpu.dma_semaphore, #tpu.memory_space<semaphore_mem>>
      %dma_start3A = arith.constant 0 : i32
      %dma_start3A_13 = arith.constant 0 : i32
      %dma_start3A_14 = tpu.memref_slice %arg3[%add3A, %dma_start3A, %dma_start3A_13] : memref<32x79x128xi32, #tpu.memory_space<hbm>> -> memref<1x79x128xi32, #tpu.memory_space<hbm>>
      %dma_start3A_15 = tpu.memref_squeeze %dma_start3A_14 : memref<1x79x128xi32, #tpu.memory_space<hbm>> -> memref<79x128xi32, #tpu.memory_space<hbm>>
      %dma_start3A_16 = arith.constant 0 : i32
      %dma_start3A_17 = arith.constant 0 : i32
      %dma_start3A_18 = tpu.memref_slice %arg3[%add3A, %dma_start3A_16, %dma_start3A_17] : memref<32x79x128xi32, #tpu.memory_space<hbm>> -> memref<1x79x128xi32, #tpu.memory_space<hbm>>
      %dma_start3A_19 = tpu.memref_squeeze %dma_start3A_18 : memref<1x79x128xi32, #tpu.memory_space<hbm>> -> memref<79x128xi32, #tpu.memory_space<hbm>>
      tpu.enqueue_dma source(%dma_start3A_19 : memref<79x128xi32, #tpu.memory_space<hbm>>) target(%arg7 : memref<79x128xi32, #tpu.memory_space<vmem>>) target_semaphore(%run_scoped3A : memref<!tpu.dma_semaphore, #tpu.memory_space<semaphore_mem>>)
      %dma_wait3A = arith.constant 0 : i32
      %dma_wait3A_20 = arith.constant 0 : i32
      %dma_wait3A_21 = tpu.memref_slice %arg3[%add3A, %dma_wait3A, %dma_wait3A_20] : memref<32x79x128xi32, #tpu.memory_space<hbm>> -> memref<1x79x128xi32, #tpu.memory_space<hbm>>
      %dma_wait3A_22 = tpu.memref_squeeze %dma_wait3A_21 : memref<1x79x128xi32, #tpu.memory_space<hbm>> -> memref<79x128xi32, #tpu.memory_space<hbm>>
      %dma_wait3A_23 = arith.constant 0 : i32
      %dma_wait3A_24 = arith.constant 0 : i32
      %dma_wait3A_25 = tpu.memref_slice %arg3[%add3A, %dma_wait3A_23, %dma_wait3A_24] : memref<32x79x128xi32, #tpu.memory_space<hbm>> -> memref<1x79x128xi32, #tpu.memory_space<hbm>>
      %dma_wait3A_26 = tpu.memref_squeeze %dma_wait3A_25 : memref<1x79x128xi32, #tpu.memory_space<hbm>> -> memref<79x128xi32, #tpu.memory_space<hbm>>
      tpu.wait_dma2 semaphore(%run_scoped3A : memref<!tpu.dma_semaphore, #tpu.memory_space<semaphore_mem>>) src(%dma_wait3A_26 : memref<79x128xi32, #tpu.memory_space<hbm>>) dst(%arg7 : memref<79x128xi32, #tpu.memory_space<vmem>>)
      tpu.yield
    }) : () -> ()
    "tpu.region"() ({
      %run_scoped3A = tpu.sem_alloc : memref<!tpu.dma_semaphore, #tpu.memory_space<semaphore_mem>>
      %dma_start3A = arith.constant 0 : i32
      %dma_start3A_13 = arith.constant 0 : i32
      %dma_start3A_14 = tpu.memref_slice %arg4[%add3A, %dma_start3A, %dma_start3A_13] : memref<32x79x128xi32, #tpu.memory_space<hbm>> -> memref<1x79x128xi32, #tpu.memory_space<hbm>>
      %dma_start3A_15 = tpu.memref_squeeze %dma_start3A_14 : memref<1x79x128xi32, #tpu.memory_space<hbm>> -> memref<79x128xi32, #tpu.memory_space<hbm>>
      %dma_start3A_16 = arith.constant 0 : i32
      %dma_start3A_17 = arith.constant 0 : i32
      %dma_start3A_18 = tpu.memref_slice %arg4[%add3A, %dma_start3A_16, %dma_start3A_17] : memref<32x79x128xi32, #tpu.memory_space<hbm>> -> memref<1x79x128xi32, #tpu.memory_space<hbm>>
      %dma_start3A_19 = tpu.memref_squeeze %dma_start3A_18 : memref<1x79x128xi32, #tpu.memory_space<hbm>> -> memref<79x128xi32, #tpu.memory_space<hbm>>
      tpu.enqueue_dma source(%dma_start3A_19 : memref<79x128xi32, #tpu.memory_space<hbm>>) target(%arg8 : memref<79x128xi32, #tpu.memory_space<vmem>>) target_semaphore(%run_scoped3A : memref<!tpu.dma_semaphore, #tpu.memory_space<semaphore_mem>>)
      %dma_wait3A = arith.constant 0 : i32
      %dma_wait3A_20 = arith.constant 0 : i32
      %dma_wait3A_21 = tpu.memref_slice %arg4[%add3A, %dma_wait3A, %dma_wait3A_20] : memref<32x79x128xi32, #tpu.memory_space<hbm>> -> memref<1x79x128xi32, #tpu.memory_space<hbm>>
      %dma_wait3A_22 = tpu.memref_squeeze %dma_wait3A_21 : memref<1x79x128xi32, #tpu.memory_space<hbm>> -> memref<79x128xi32, #tpu.memory_space<hbm>>
      %dma_wait3A_23 = arith.constant 0 : i32
      %dma_wait3A_24 = arith.constant 0 : i32
      %dma_wait3A_25 = tpu.memref_slice %arg4[%add3A, %dma_wait3A_23, %dma_wait3A_24] : memref<32x79x128xi32, #tpu.memory_space<hbm>> -> memref<1x79x128xi32, #tpu.memory_space<hbm>>
      %dma_wait3A_26 = tpu.memref_squeeze %dma_wait3A_25 : memref<1x79x128xi32, #tpu.memory_space<hbm>> -> memref<79x128xi32, #tpu.memory_space<hbm>>
      tpu.wait_dma2 semaphore(%run_scoped3A : memref<!tpu.dma_semaphore, #tpu.memory_space<semaphore_mem>>) src(%dma_wait3A_26 : memref<79x128xi32, #tpu.memory_space<hbm>>) dst(%arg8 : memref<79x128xi32, #tpu.memory_space<vmem>>)
      tpu.yield
    }) : () -> ()
    %barrier3A = arith.constant 0 : index
    tpu.barrier barrier_id(%barrier3A)
    %scan3A = arith.constant 0 : i32
    %scan3A_3 = arith.constant 0 : i32
    %scan3A_4 = arith.constant 79 : i32
    %scan3A_5 = arith.addi %scan3A_3, %scan3A_4 : i32
    %scan3A_6 = arith.constant 1 : i32
    scf.for %scan3A_13 = %scan3A_3 to %scan3A_5 step %scan3A_6  : i32 {
      %dma_start3A = arith.constant 0 : i32
      %dma_start3A_14 = tpu.memref_slice %arg7[%scan3A_13, %dma_start3A] : memref<79x128xi32, #tpu.memory_space<vmem>> -> memref<1x128xi32, #tpu.memory_space<vmem>>
      %dma_start3A_15 = tpu.memref_squeeze %dma_start3A_14 : memref<1x128xi32, #tpu.memory_space<vmem>> -> memref<128xi32, #tpu.memory_space<vmem>>
      %dma_start3A_16 = arith.constant 0 : i32
      %dma_start3A_17 = arith.constant 0 : i32
      %dma_start3A_18 = tpu.memref_slice %arg2[%dma_start3A_16, %dma_start3A_17] : memref<128x128xf32, #tpu.memory_space<hbm>> -> memref<128x128xf32, #tpu.memory_space<hbm>>
      tpu.enqueue_indirect_dma source(%dma_start3A_18 : memref<128x128xf32, #tpu.memory_space<hbm>>) target(%arg9 : memref<128x128xf32, #tpu.memory_space<vmem>>) offsets(%dma_start3A_15 : memref<128xi32, #tpu.memory_space<vmem>>) semaphore(%arg11 : memref<!tpu.dma_semaphore, #tpu.memory_space<semaphore_mem>>)
      %dma_wait3A = arith.constant 0 : i32
      %dma_wait3A_19 = tpu.memref_slice %arg7[%scan3A_13, %dma_wait3A] : memref<79x128xi32, #tpu.memory_space<vmem>> -> memref<1x128xi32, #tpu.memory_space<vmem>>
      %dma_wait3A_20 = tpu.memref_squeeze %dma_wait3A_19 : memref<1x128xi32, #tpu.memory_space<vmem>> -> memref<128xi32, #tpu.memory_space<vmem>>
      %dma_wait3A_21 = arith.constant 0 : i32
      %dma_wait3A_22 = arith.constant 0 : i32
      %dma_wait3A_23 = tpu.memref_slice %arg2[%dma_wait3A_21, %dma_wait3A_22] : memref<128x128xf32, #tpu.memory_space<hbm>> -> memref<128x128xf32, #tpu.memory_space<hbm>>
      tpu.wait_indirect_dma semaphore(%arg11 : memref<!tpu.dma_semaphore, #tpu.memory_space<semaphore_mem>>) src(%dma_wait3A_23 : memref<128x128xf32, #tpu.memory_space<hbm>>) dst(%arg9 : memref<128x128xf32, #tpu.memory_space<vmem>>)
      "tpu.region"() ({
        %run_scoped3A = tpu.sem_alloc : memref<!tpu.dma_semaphore, #tpu.memory_space<semaphore_mem>>
        %dma_start3A_24 = arith.constant 0 : i32
        %dma_start3A_25 = tpu.memref_slice %arg8[%scan3A_13, %dma_start3A_24] : memref<79x128xi32, #tpu.memory_space<vmem>> -> memref<1x128xi32, #tpu.memory_space<vmem>>
        %dma_start3A_26 = tpu.memref_squeeze %dma_start3A_25 : memref<1x128xi32, #tpu.memory_space<vmem>> -> memref<128xi32, #tpu.memory_space<vmem>>
        %dma_start3A_27 = arith.constant 0 : i32
        %dma_start3A_28 = arith.constant 0 : i32
        %dma_start3A_29 = tpu.memref_slice %arg10[%dma_start3A_27, %dma_start3A_28] : memref<128x128xf32, #tpu.memory_space<vmem_shared>> -> memref<128x128xf32, #tpu.memory_space<vmem_shared>>
        tpu.enqueue_indirect_dma source(%arg9 : memref<128x128xf32, #tpu.memory_space<vmem>>) target(%dma_start3A_29 : memref<128x128xf32, #tpu.memory_space<vmem_shared>>) offsets(%dma_start3A_26 : memref<128xi32, #tpu.memory_space<vmem>>) semaphore(%run_scoped3A : memref<!tpu.dma_semaphore, #tpu.memory_space<semaphore_mem>>) {add = true}
        %dma_wait3A_30 = arith.constant 0 : i32
        %dma_wait3A_31 = tpu.memref_slice %arg8[%scan3A_13, %dma_wait3A_30] : memref<79x128xi32, #tpu.memory_space<vmem>> -> memref<1x128xi32, #tpu.memory_space<vmem>>
        %dma_wait3A_32 = tpu.memref_squeeze %dma_wait3A_31 : memref<1x128xi32, #tpu.memory_space<vmem>> -> memref<128xi32, #tpu.memory_space<vmem>>
        %dma_wait3A_33 = arith.constant 0 : i32
        %dma_wait3A_34 = arith.constant 0 : i32
        %dma_wait3A_35 = tpu.memref_slice %arg10[%dma_wait3A_33, %dma_wait3A_34] : memref<128x128xf32, #tpu.memory_space<vmem_shared>> -> memref<128x128xf32, #tpu.memory_space<vmem_shared>>
        tpu.wait_indirect_dma semaphore(%run_scoped3A : memref<!tpu.dma_semaphore, #tpu.memory_space<semaphore_mem>>) src(%arg9 : memref<128x128xf32, #tpu.memory_space<vmem>>) dst(%dma_wait3A_35 : memref<128x128xf32, #tpu.memory_space<vmem_shared>>)
        tpu.yield
      }) : () -> ()
    }
    %scan3A_7 = arith.constant 79 : i32
    %barrier3A_8 = arith.constant 0 : index
    tpu.barrier barrier_id(%barrier3A_8)
    %mul3A_9 = arith.constant 8 : i32
    %mul3A_10 = arith.muli %arg1, %mul3A_9 : i32
    %mul3A_11 = arith.constant 8 : i32
    %mul3A_12 = arith.muli %arg1, %mul3A_11 : i32
    "tpu.region"() ({
      %run_scoped3A = tpu.sem_alloc : memref<!tpu.dma_semaphore, #tpu.memory_space<semaphore_mem>>
      %dma_start3A = arith.constant 0 : i32
      %dma_start3A_13 = tpu.memref_slice %arg6[%arg0, %mul3A_12, %dma_start3A] : memref<2x128x128xf32, #tpu.memory_space<hbm>> -> memref<1x8x128xf32, #tpu.memory_space<hbm>>
      %dma_start3A_14 = tpu.memref_squeeze %dma_start3A_13 : memref<1x8x128xf32, #tpu.memory_space<hbm>> -> memref<8x128xf32, #tpu.memory_space<hbm>>
      %dma_start3A_15 = arith.constant 0 : i32
      %dma_start3A_16 = tpu.memref_slice %arg10[%mul3A_10, %dma_start3A_15] : memref<128x128xf32, #tpu.memory_space<vmem_shared>> -> memref<8x128xf32, #tpu.memory_space<vmem_shared>>
      tpu.enqueue_dma source(%dma_start3A_16 : memref<8x128xf32, #tpu.memory_space<vmem_shared>>) target(%dma_start3A_14 : memref<8x128xf32, #tpu.memory_space<hbm>>) target_semaphore(%run_scoped3A : memref<!tpu.dma_semaphore, #tpu.memory_space<semaphore_mem>>)
      %dma_wait3A = arith.constant 0 : i32
      %dma_wait3A_17 = tpu.memref_slice %arg6[%arg0, %mul3A_12, %dma_wait3A] : memref<2x128x128xf32, #tpu.memory_space<hbm>> -> memref<1x8x128xf32, #tpu.memory_space<hbm>>
      %dma_wait3A_18 = tpu.memref_squeeze %dma_wait3A_17 : memref<1x8x128xf32, #tpu.memory_space<hbm>> -> memref<8x128xf32, #tpu.memory_space<hbm>>
      %dma_wait3A_19 = arith.constant 0 : i32
      %dma_wait3A_20 = tpu.memref_slice %arg10[%mul3A_10, %dma_wait3A_19] : memref<128x128xf32, #tpu.memory_space<vmem_shared>> -> memref<8x128xf32, #tpu.memory_space<vmem_shared>>
      tpu.wait_dma2 semaphore(%run_scoped3A : memref<!tpu.dma_semaphore, #tpu.memory_space<semaphore_mem>>) src(%dma_wait3A_20 : memref<8x128xf32, #tpu.memory_space<vmem_shared>>) dst(%dma_wait3A_18 : memref<8x128xf32, #tpu.memory_space<hbm>>)
      tpu.yield
    }) : () -> ()
    return
  }
}

#map = affine_map<(d0, d1) -> (0, 0)>
#map1 = affine_map<(d0, d1) -> (0, 0, 0)>
module attributes {stable_mosaic.version = 14 : i64} {
  func.func @_agg_body(%arg0: i32, %arg1: i32, %arg2: memref<10000x128xf32, #tpu.memory_space<hbm>>, %arg3: memref<32x101x128xi32, #tpu.memory_space<hbm>>, %arg4: memref<32x101x128xi32, #tpu.memory_space<hbm>>, %arg5: memref<640x128xf32, #tpu.memory_space<hbm>>, %arg6: memref<2x10240x128xf32, #tpu.memory_space<hbm>>, %arg7: memref<101x128xi32, #tpu.memory_space<vmem>>, %arg8: memref<101x128xi32, #tpu.memory_space<vmem>>, %arg9: memref<128x128xf32, #tpu.memory_space<vmem>>, %arg10: memref<10240x128xf32, #tpu.memory_space<vmem_shared>>, %arg11: memref<!tpu.dma_semaphore, #tpu.memory_space<semaphore_mem>>) attributes {dimension_semantics = [#tpu.dimension_semantics<core_parallel>, #tpu.dimension_semantics<subcore_parallel>], iteration_bounds = array<i64: 2, 16>, scalar_prefetch = 0 : i64, scratch_operands = 5 : i64, tpu.core_type = #tpu.core_type<sc_vector_subcore>, window_params = [{transform_indices = #map}, {transform_indices = #map1}, {transform_indices = #map1}, {transform_indices = #map}, {transform_indices = #map1}]} {
    %mul3A = arith.constant 16 : i32
    %mul3A_0 = arith.muli %arg0, %mul3A : i32
    %add3A = arith.addi %mul3A_0, %arg1 : i32
    %mul3A_1 = arith.constant 640 : i32
    %mul3A_2 = arith.muli %arg1, %mul3A_1 : i32
    "tpu.region"() ({
      %run_scoped3A = tpu.sem_alloc : memref<!tpu.dma_semaphore, #tpu.memory_space<semaphore_mem>>
      %dma_start3A = arith.constant 0 : i32
      %dma_start3A_13 = tpu.memref_slice %arg10[%mul3A_2, %dma_start3A] : memref<10240x128xf32, #tpu.memory_space<vmem_shared>> -> memref<640x128xf32, #tpu.memory_space<vmem_shared>>
      tpu.enqueue_dma source(%arg5 : memref<640x128xf32, #tpu.memory_space<hbm>>) target(%dma_start3A_13 : memref<640x128xf32, #tpu.memory_space<vmem_shared>>) target_semaphore(%run_scoped3A : memref<!tpu.dma_semaphore, #tpu.memory_space<semaphore_mem>>)
      %dma_wait3A = arith.constant 0 : i32
      %dma_wait3A_14 = tpu.memref_slice %arg10[%mul3A_2, %dma_wait3A] : memref<10240x128xf32, #tpu.memory_space<vmem_shared>> -> memref<640x128xf32, #tpu.memory_space<vmem_shared>>
      tpu.wait_dma2 semaphore(%run_scoped3A : memref<!tpu.dma_semaphore, #tpu.memory_space<semaphore_mem>>) src(%arg5 : memref<640x128xf32, #tpu.memory_space<hbm>>) dst(%dma_wait3A_14 : memref<640x128xf32, #tpu.memory_space<vmem_shared>>)
      tpu.yield
    }) : () -> ()
    "tpu.region"() ({
      %run_scoped3A = tpu.sem_alloc : memref<!tpu.dma_semaphore, #tpu.memory_space<semaphore_mem>>
      %dma_start3A = arith.constant 0 : i32
      %dma_start3A_13 = arith.constant 0 : i32
      %dma_start3A_14 = tpu.memref_slice %arg3[%add3A, %dma_start3A, %dma_start3A_13] : memref<32x101x128xi32, #tpu.memory_space<hbm>> -> memref<1x101x128xi32, #tpu.memory_space<hbm>>
      %dma_start3A_15 = tpu.memref_squeeze %dma_start3A_14 : memref<1x101x128xi32, #tpu.memory_space<hbm>> -> memref<101x128xi32, #tpu.memory_space<hbm>>
      %dma_start3A_16 = arith.constant 0 : i32
      %dma_start3A_17 = arith.constant 0 : i32
      %dma_start3A_18 = tpu.memref_slice %arg3[%add3A, %dma_start3A_16, %dma_start3A_17] : memref<32x101x128xi32, #tpu.memory_space<hbm>> -> memref<1x101x128xi32, #tpu.memory_space<hbm>>
      %dma_start3A_19 = tpu.memref_squeeze %dma_start3A_18 : memref<1x101x128xi32, #tpu.memory_space<hbm>> -> memref<101x128xi32, #tpu.memory_space<hbm>>
      tpu.enqueue_dma source(%dma_start3A_19 : memref<101x128xi32, #tpu.memory_space<hbm>>) target(%arg7 : memref<101x128xi32, #tpu.memory_space<vmem>>) target_semaphore(%run_scoped3A : memref<!tpu.dma_semaphore, #tpu.memory_space<semaphore_mem>>)
      %dma_wait3A = arith.constant 0 : i32
      %dma_wait3A_20 = arith.constant 0 : i32
      %dma_wait3A_21 = tpu.memref_slice %arg3[%add3A, %dma_wait3A, %dma_wait3A_20] : memref<32x101x128xi32, #tpu.memory_space<hbm>> -> memref<1x101x128xi32, #tpu.memory_space<hbm>>
      %dma_wait3A_22 = tpu.memref_squeeze %dma_wait3A_21 : memref<1x101x128xi32, #tpu.memory_space<hbm>> -> memref<101x128xi32, #tpu.memory_space<hbm>>
      %dma_wait3A_23 = arith.constant 0 : i32
      %dma_wait3A_24 = arith.constant 0 : i32
      %dma_wait3A_25 = tpu.memref_slice %arg3[%add3A, %dma_wait3A_23, %dma_wait3A_24] : memref<32x101x128xi32, #tpu.memory_space<hbm>> -> memref<1x101x128xi32, #tpu.memory_space<hbm>>
      %dma_wait3A_26 = tpu.memref_squeeze %dma_wait3A_25 : memref<1x101x128xi32, #tpu.memory_space<hbm>> -> memref<101x128xi32, #tpu.memory_space<hbm>>
      tpu.wait_dma2 semaphore(%run_scoped3A : memref<!tpu.dma_semaphore, #tpu.memory_space<semaphore_mem>>) src(%dma_wait3A_26 : memref<101x128xi32, #tpu.memory_space<hbm>>) dst(%arg7 : memref<101x128xi32, #tpu.memory_space<vmem>>)
      tpu.yield
    }) : () -> ()
    "tpu.region"() ({
      %run_scoped3A = tpu.sem_alloc : memref<!tpu.dma_semaphore, #tpu.memory_space<semaphore_mem>>
      %dma_start3A = arith.constant 0 : i32
      %dma_start3A_13 = arith.constant 0 : i32
      %dma_start3A_14 = tpu.memref_slice %arg4[%add3A, %dma_start3A, %dma_start3A_13] : memref<32x101x128xi32, #tpu.memory_space<hbm>> -> memref<1x101x128xi32, #tpu.memory_space<hbm>>
      %dma_start3A_15 = tpu.memref_squeeze %dma_start3A_14 : memref<1x101x128xi32, #tpu.memory_space<hbm>> -> memref<101x128xi32, #tpu.memory_space<hbm>>
      %dma_start3A_16 = arith.constant 0 : i32
      %dma_start3A_17 = arith.constant 0 : i32
      %dma_start3A_18 = tpu.memref_slice %arg4[%add3A, %dma_start3A_16, %dma_start3A_17] : memref<32x101x128xi32, #tpu.memory_space<hbm>> -> memref<1x101x128xi32, #tpu.memory_space<hbm>>
      %dma_start3A_19 = tpu.memref_squeeze %dma_start3A_18 : memref<1x101x128xi32, #tpu.memory_space<hbm>> -> memref<101x128xi32, #tpu.memory_space<hbm>>
      tpu.enqueue_dma source(%dma_start3A_19 : memref<101x128xi32, #tpu.memory_space<hbm>>) target(%arg8 : memref<101x128xi32, #tpu.memory_space<vmem>>) target_semaphore(%run_scoped3A : memref<!tpu.dma_semaphore, #tpu.memory_space<semaphore_mem>>)
      %dma_wait3A = arith.constant 0 : i32
      %dma_wait3A_20 = arith.constant 0 : i32
      %dma_wait3A_21 = tpu.memref_slice %arg4[%add3A, %dma_wait3A, %dma_wait3A_20] : memref<32x101x128xi32, #tpu.memory_space<hbm>> -> memref<1x101x128xi32, #tpu.memory_space<hbm>>
      %dma_wait3A_22 = tpu.memref_squeeze %dma_wait3A_21 : memref<1x101x128xi32, #tpu.memory_space<hbm>> -> memref<101x128xi32, #tpu.memory_space<hbm>>
      %dma_wait3A_23 = arith.constant 0 : i32
      %dma_wait3A_24 = arith.constant 0 : i32
      %dma_wait3A_25 = tpu.memref_slice %arg4[%add3A, %dma_wait3A_23, %dma_wait3A_24] : memref<32x101x128xi32, #tpu.memory_space<hbm>> -> memref<1x101x128xi32, #tpu.memory_space<hbm>>
      %dma_wait3A_26 = tpu.memref_squeeze %dma_wait3A_25 : memref<1x101x128xi32, #tpu.memory_space<hbm>> -> memref<101x128xi32, #tpu.memory_space<hbm>>
      tpu.wait_dma2 semaphore(%run_scoped3A : memref<!tpu.dma_semaphore, #tpu.memory_space<semaphore_mem>>) src(%dma_wait3A_26 : memref<101x128xi32, #tpu.memory_space<hbm>>) dst(%arg8 : memref<101x128xi32, #tpu.memory_space<vmem>>)
      tpu.yield
    }) : () -> ()
    %barrier3A = arith.constant 0 : index
    tpu.barrier barrier_id(%barrier3A)
    %scan3A = arith.constant 0 : i32
    %scan3A_3 = arith.constant 0 : i32
    %scan3A_4 = arith.constant 101 : i32
    %scan3A_5 = arith.addi %scan3A_3, %scan3A_4 : i32
    %scan3A_6 = arith.constant 1 : i32
    scf.for %scan3A_13 = %scan3A_3 to %scan3A_5 step %scan3A_6  : i32 {
      %eq3A = arith.constant 0 : i32
      %eq3A_14 = arith.cmpi eq, %arg0, %eq3A : i32
      %lt3A = arith.constant 56 : i32
      %lt3A_15 = arith.cmpi slt, %scan3A_13, %lt3A : i32
      %or3A = arith.ori %eq3A_14, %lt3A_15 : i1
      %convert_element_type3A = arith.extui %or3A : i1 to i32
      %cond3A = arith.constant 0 : i32
      %cond3A_16 = arith.cmpi ne, %convert_element_type3A, %cond3A : i32
      scf.if %cond3A_16 {
        %dma_start3A = arith.constant 0 : i32
        %dma_start3A_17 = tpu.memref_slice %arg7[%scan3A_13, %dma_start3A] : memref<101x128xi32, #tpu.memory_space<vmem>> -> memref<1x128xi32, #tpu.memory_space<vmem>>
        %dma_start3A_18 = tpu.memref_squeeze %dma_start3A_17 : memref<1x128xi32, #tpu.memory_space<vmem>> -> memref<128xi32, #tpu.memory_space<vmem>>
        %dma_start3A_19 = arith.constant 0 : i32
        %dma_start3A_20 = arith.constant 0 : i32
        %dma_start3A_21 = tpu.memref_slice %arg2[%dma_start3A_19, %dma_start3A_20] : memref<10000x128xf32, #tpu.memory_space<hbm>> -> memref<10000x128xf32, #tpu.memory_space<hbm>>
        tpu.enqueue_indirect_dma source(%dma_start3A_21 : memref<10000x128xf32, #tpu.memory_space<hbm>>) target(%arg9 : memref<128x128xf32, #tpu.memory_space<vmem>>) offsets(%dma_start3A_18 : memref<128xi32, #tpu.memory_space<vmem>>) semaphore(%arg11 : memref<!tpu.dma_semaphore, #tpu.memory_space<semaphore_mem>>)
        %dma_wait3A = arith.constant 0 : i32
        %dma_wait3A_22 = tpu.memref_slice %arg7[%scan3A_13, %dma_wait3A] : memref<101x128xi32, #tpu.memory_space<vmem>> -> memref<1x128xi32, #tpu.memory_space<vmem>>
        %dma_wait3A_23 = tpu.memref_squeeze %dma_wait3A_22 : memref<1x128xi32, #tpu.memory_space<vmem>> -> memref<128xi32, #tpu.memory_space<vmem>>
        %dma_wait3A_24 = arith.constant 0 : i32
        %dma_wait3A_25 = arith.constant 0 : i32
        %dma_wait3A_26 = tpu.memref_slice %arg2[%dma_wait3A_24, %dma_wait3A_25] : memref<10000x128xf32, #tpu.memory_space<hbm>> -> memref<10000x128xf32, #tpu.memory_space<hbm>>
        tpu.wait_indirect_dma semaphore(%arg11 : memref<!tpu.dma_semaphore, #tpu.memory_space<semaphore_mem>>) src(%dma_wait3A_26 : memref<10000x128xf32, #tpu.memory_space<hbm>>) dst(%arg9 : memref<128x128xf32, #tpu.memory_space<vmem>>)
        "tpu.region"() ({
          %run_scoped3A = tpu.sem_alloc : memref<!tpu.dma_semaphore, #tpu.memory_space<semaphore_mem>>
          %dma_start3A_27 = arith.constant 0 : i32
          %dma_start3A_28 = tpu.memref_slice %arg8[%scan3A_13, %dma_start3A_27] : memref<101x128xi32, #tpu.memory_space<vmem>> -> memref<1x128xi32, #tpu.memory_space<vmem>>
          %dma_start3A_29 = tpu.memref_squeeze %dma_start3A_28 : memref<1x128xi32, #tpu.memory_space<vmem>> -> memref<128xi32, #tpu.memory_space<vmem>>
          %dma_start3A_30 = arith.constant 0 : i32
          %dma_start3A_31 = arith.constant 0 : i32
          %dma_start3A_32 = tpu.memref_slice %arg10[%dma_start3A_30, %dma_start3A_31] : memref<10240x128xf32, #tpu.memory_space<vmem_shared>> -> memref<10240x128xf32, #tpu.memory_space<vmem_shared>>
          tpu.enqueue_indirect_dma source(%arg9 : memref<128x128xf32, #tpu.memory_space<vmem>>) target(%dma_start3A_32 : memref<10240x128xf32, #tpu.memory_space<vmem_shared>>) offsets(%dma_start3A_29 : memref<128xi32, #tpu.memory_space<vmem>>) semaphore(%run_scoped3A : memref<!tpu.dma_semaphore, #tpu.memory_space<semaphore_mem>>) {add = true}
          %dma_wait3A_33 = arith.constant 0 : i32
          %dma_wait3A_34 = tpu.memref_slice %arg8[%scan3A_13, %dma_wait3A_33] : memref<101x128xi32, #tpu.memory_space<vmem>> -> memref<1x128xi32, #tpu.memory_space<vmem>>
          %dma_wait3A_35 = tpu.memref_squeeze %dma_wait3A_34 : memref<1x128xi32, #tpu.memory_space<vmem>> -> memref<128xi32, #tpu.memory_space<vmem>>
          %dma_wait3A_36 = arith.constant 0 : i32
          %dma_wait3A_37 = arith.constant 0 : i32
          %dma_wait3A_38 = tpu.memref_slice %arg10[%dma_wait3A_36, %dma_wait3A_37] : memref<10240x128xf32, #tpu.memory_space<vmem_shared>> -> memref<10240x128xf32, #tpu.memory_space<vmem_shared>>
          tpu.wait_indirect_dma semaphore(%run_scoped3A : memref<!tpu.dma_semaphore, #tpu.memory_space<semaphore_mem>>) src(%arg9 : memref<128x128xf32, #tpu.memory_space<vmem>>) dst(%dma_wait3A_38 : memref<10240x128xf32, #tpu.memory_space<vmem_shared>>)
          tpu.yield
        }) : () -> ()
      } else {
      }
    }
    %scan3A_7 = arith.constant 101 : i32
    %barrier3A_8 = arith.constant 0 : index
    tpu.barrier barrier_id(%barrier3A_8)
    %mul3A_9 = arith.constant 640 : i32
    %mul3A_10 = arith.muli %arg1, %mul3A_9 : i32
    %mul3A_11 = arith.constant 640 : i32
    %mul3A_12 = arith.muli %arg1, %mul3A_11 : i32
    "tpu.region"() ({
      %run_scoped3A = tpu.sem_alloc : memref<!tpu.dma_semaphore, #tpu.memory_space<semaphore_mem>>
      %dma_start3A = arith.constant 0 : i32
      %dma_start3A_13 = tpu.memref_slice %arg6[%arg0, %mul3A_12, %dma_start3A] : memref<2x10240x128xf32, #tpu.memory_space<hbm>> -> memref<1x640x128xf32, #tpu.memory_space<hbm>>
      %dma_start3A_14 = tpu.memref_squeeze %dma_start3A_13 : memref<1x640x128xf32, #tpu.memory_space<hbm>> -> memref<640x128xf32, #tpu.memory_space<hbm>>
      %dma_start3A_15 = arith.constant 0 : i32
      %dma_start3A_16 = tpu.memref_slice %arg10[%mul3A_10, %dma_start3A_15] : memref<10240x128xf32, #tpu.memory_space<vmem_shared>> -> memref<640x128xf32, #tpu.memory_space<vmem_shared>>
      tpu.enqueue_dma source(%dma_start3A_16 : memref<640x128xf32, #tpu.memory_space<vmem_shared>>) target(%dma_start3A_14 : memref<640x128xf32, #tpu.memory_space<hbm>>) target_semaphore(%run_scoped3A : memref<!tpu.dma_semaphore, #tpu.memory_space<semaphore_mem>>)
      %dma_wait3A = arith.constant 0 : i32
      %dma_wait3A_17 = tpu.memref_slice %arg6[%arg0, %mul3A_12, %dma_wait3A] : memref<2x10240x128xf32, #tpu.memory_space<hbm>> -> memref<1x640x128xf32, #tpu.memory_space<hbm>>
      %dma_wait3A_18 = tpu.memref_squeeze %dma_wait3A_17 : memref<1x640x128xf32, #tpu.memory_space<hbm>> -> memref<640x128xf32, #tpu.memory_space<hbm>>
      %dma_wait3A_19 = arith.constant 0 : i32
      %dma_wait3A_20 = tpu.memref_slice %arg10[%mul3A_10, %dma_wait3A_19] : memref<10240x128xf32, #tpu.memory_space<vmem_shared>> -> memref<640x128xf32, #tpu.memory_space<vmem_shared>>
      tpu.wait_dma2 semaphore(%run_scoped3A : memref<!tpu.dma_semaphore, #tpu.memory_space<semaphore_mem>>) src(%dma_wait3A_20 : memref<640x128xf32, #tpu.memory_space<vmem_shared>>) dst(%dma_wait3A_18 : memref<640x128xf32, #tpu.memory_space<hbm>>)
      tpu.yield
    }) : () -> ()
    return
  }
}

#map = affine_map<(d0, d1) -> (0, 0)>
#map1 = affine_map<(d0, d1) -> (0, 0, 0)>
module attributes {stable_mosaic.version = 14 : i64} {
  func.func @_agg_body(%arg0: i32, %arg1: i32, %arg2: memref<10000x128xf32, #tpu.memory_space<hbm>>, %arg3: memref<32x101x128xi32, #tpu.memory_space<hbm>>, %arg4: memref<32x101x128xi32, #tpu.memory_space<hbm>>, %arg5: memref<640x128xf32, #tpu.memory_space<hbm>>, %arg6: memref<2x10240x128xf32, #tpu.memory_space<hbm>>, %arg7: memref<101x128xi32, #tpu.memory_space<vmem>>, %arg8: memref<101x128xi32, #tpu.memory_space<vmem>>, %arg9: memref<128x128xf32, #tpu.memory_space<vmem>>, %arg10: memref<10240x128xf32, #tpu.memory_space<vmem_shared>>, %arg11: memref<!tpu.dma_semaphore, #tpu.memory_space<semaphore_mem>>) attributes {dimension_semantics = [#tpu.dimension_semantics<core_parallel>, #tpu.dimension_semantics<subcore_parallel>], iteration_bounds = array<i64: 2, 16>, scalar_prefetch = 0 : i64, scratch_operands = 5 : i64, tpu.core_type = #tpu.core_type<sc_vector_subcore>, window_params = [{transform_indices = #map}, {transform_indices = #map1}, {transform_indices = #map1}, {transform_indices = #map}, {transform_indices = #map1}]} {
    %mul3A = arith.constant 16 : i32
    %mul3A_0 = arith.muli %arg0, %mul3A : i32
    %add3A = arith.addi %mul3A_0, %arg1 : i32
    %mul3A_1 = arith.constant 640 : i32
    %mul3A_2 = arith.muli %arg1, %mul3A_1 : i32
    "tpu.region"() ({
      %run_scoped3A = tpu.sem_alloc : memref<!tpu.dma_semaphore, #tpu.memory_space<semaphore_mem>>
      %dma_start3A = arith.constant 0 : i32
      %dma_start3A_13 = tpu.memref_slice %arg10[%mul3A_2, %dma_start3A] : memref<10240x128xf32, #tpu.memory_space<vmem_shared>> -> memref<640x128xf32, #tpu.memory_space<vmem_shared>>
      tpu.enqueue_dma source(%arg5 : memref<640x128xf32, #tpu.memory_space<hbm>>) target(%dma_start3A_13 : memref<640x128xf32, #tpu.memory_space<vmem_shared>>) target_semaphore(%run_scoped3A : memref<!tpu.dma_semaphore, #tpu.memory_space<semaphore_mem>>)
      %dma_wait3A = arith.constant 0 : i32
      %dma_wait3A_14 = tpu.memref_slice %arg10[%mul3A_2, %dma_wait3A] : memref<10240x128xf32, #tpu.memory_space<vmem_shared>> -> memref<640x128xf32, #tpu.memory_space<vmem_shared>>
      tpu.wait_dma2 semaphore(%run_scoped3A : memref<!tpu.dma_semaphore, #tpu.memory_space<semaphore_mem>>) src(%arg5 : memref<640x128xf32, #tpu.memory_space<hbm>>) dst(%dma_wait3A_14 : memref<640x128xf32, #tpu.memory_space<vmem_shared>>)
      tpu.yield
    }) : () -> ()
    "tpu.region"() ({
      %run_scoped3A = tpu.sem_alloc : memref<!tpu.dma_semaphore, #tpu.memory_space<semaphore_mem>>
      %dma_start3A = arith.constant 0 : i32
      %dma_start3A_13 = arith.constant 0 : i32
      %dma_start3A_14 = tpu.memref_slice %arg3[%add3A, %dma_start3A, %dma_start3A_13] : memref<32x101x128xi32, #tpu.memory_space<hbm>> -> memref<1x101x128xi32, #tpu.memory_space<hbm>>
      %dma_start3A_15 = tpu.memref_squeeze %dma_start3A_14 : memref<1x101x128xi32, #tpu.memory_space<hbm>> -> memref<101x128xi32, #tpu.memory_space<hbm>>
      %dma_start3A_16 = arith.constant 0 : i32
      %dma_start3A_17 = arith.constant 0 : i32
      %dma_start3A_18 = tpu.memref_slice %arg3[%add3A, %dma_start3A_16, %dma_start3A_17] : memref<32x101x128xi32, #tpu.memory_space<hbm>> -> memref<1x101x128xi32, #tpu.memory_space<hbm>>
      %dma_start3A_19 = tpu.memref_squeeze %dma_start3A_18 : memref<1x101x128xi32, #tpu.memory_space<hbm>> -> memref<101x128xi32, #tpu.memory_space<hbm>>
      tpu.enqueue_dma source(%dma_start3A_19 : memref<101x128xi32, #tpu.memory_space<hbm>>) target(%arg7 : memref<101x128xi32, #tpu.memory_space<vmem>>) target_semaphore(%run_scoped3A : memref<!tpu.dma_semaphore, #tpu.memory_space<semaphore_mem>>)
      %dma_wait3A = arith.constant 0 : i32
      %dma_wait3A_20 = arith.constant 0 : i32
      %dma_wait3A_21 = tpu.memref_slice %arg3[%add3A, %dma_wait3A, %dma_wait3A_20] : memref<32x101x128xi32, #tpu.memory_space<hbm>> -> memref<1x101x128xi32, #tpu.memory_space<hbm>>
      %dma_wait3A_22 = tpu.memref_squeeze %dma_wait3A_21 : memref<1x101x128xi32, #tpu.memory_space<hbm>> -> memref<101x128xi32, #tpu.memory_space<hbm>>
      %dma_wait3A_23 = arith.constant 0 : i32
      %dma_wait3A_24 = arith.constant 0 : i32
      %dma_wait3A_25 = tpu.memref_slice %arg3[%add3A, %dma_wait3A_23, %dma_wait3A_24] : memref<32x101x128xi32, #tpu.memory_space<hbm>> -> memref<1x101x128xi32, #tpu.memory_space<hbm>>
      %dma_wait3A_26 = tpu.memref_squeeze %dma_wait3A_25 : memref<1x101x128xi32, #tpu.memory_space<hbm>> -> memref<101x128xi32, #tpu.memory_space<hbm>>
      tpu.wait_dma2 semaphore(%run_scoped3A : memref<!tpu.dma_semaphore, #tpu.memory_space<semaphore_mem>>) src(%dma_wait3A_26 : memref<101x128xi32, #tpu.memory_space<hbm>>) dst(%arg7 : memref<101x128xi32, #tpu.memory_space<vmem>>)
      tpu.yield
    }) : () -> ()
    "tpu.region"() ({
      %run_scoped3A = tpu.sem_alloc : memref<!tpu.dma_semaphore, #tpu.memory_space<semaphore_mem>>
      %dma_start3A = arith.constant 0 : i32
      %dma_start3A_13 = arith.constant 0 : i32
      %dma_start3A_14 = tpu.memref_slice %arg4[%add3A, %dma_start3A, %dma_start3A_13] : memref<32x101x128xi32, #tpu.memory_space<hbm>> -> memref<1x101x128xi32, #tpu.memory_space<hbm>>
      %dma_start3A_15 = tpu.memref_squeeze %dma_start3A_14 : memref<1x101x128xi32, #tpu.memory_space<hbm>> -> memref<101x128xi32, #tpu.memory_space<hbm>>
      %dma_start3A_16 = arith.constant 0 : i32
      %dma_start3A_17 = arith.constant 0 : i32
      %dma_start3A_18 = tpu.memref_slice %arg4[%add3A, %dma_start3A_16, %dma_start3A_17] : memref<32x101x128xi32, #tpu.memory_space<hbm>> -> memref<1x101x128xi32, #tpu.memory_space<hbm>>
      %dma_start3A_19 = tpu.memref_squeeze %dma_start3A_18 : memref<1x101x128xi32, #tpu.memory_space<hbm>> -> memref<101x128xi32, #tpu.memory_space<hbm>>
      tpu.enqueue_dma source(%dma_start3A_19 : memref<101x128xi32, #tpu.memory_space<hbm>>) target(%arg8 : memref<101x128xi32, #tpu.memory_space<vmem>>) target_semaphore(%run_scoped3A : memref<!tpu.dma_semaphore, #tpu.memory_space<semaphore_mem>>)
      %dma_wait3A = arith.constant 0 : i32
      %dma_wait3A_20 = arith.constant 0 : i32
      %dma_wait3A_21 = tpu.memref_slice %arg4[%add3A, %dma_wait3A, %dma_wait3A_20] : memref<32x101x128xi32, #tpu.memory_space<hbm>> -> memref<1x101x128xi32, #tpu.memory_space<hbm>>
      %dma_wait3A_22 = tpu.memref_squeeze %dma_wait3A_21 : memref<1x101x128xi32, #tpu.memory_space<hbm>> -> memref<101x128xi32, #tpu.memory_space<hbm>>
      %dma_wait3A_23 = arith.constant 0 : i32
      %dma_wait3A_24 = arith.constant 0 : i32
      %dma_wait3A_25 = tpu.memref_slice %arg4[%add3A, %dma_wait3A_23, %dma_wait3A_24] : memref<32x101x128xi32, #tpu.memory_space<hbm>> -> memref<1x101x128xi32, #tpu.memory_space<hbm>>
      %dma_wait3A_26 = tpu.memref_squeeze %dma_wait3A_25 : memref<1x101x128xi32, #tpu.memory_space<hbm>> -> memref<101x128xi32, #tpu.memory_space<hbm>>
      tpu.wait_dma2 semaphore(%run_scoped3A : memref<!tpu.dma_semaphore, #tpu.memory_space<semaphore_mem>>) src(%dma_wait3A_26 : memref<101x128xi32, #tpu.memory_space<hbm>>) dst(%arg8 : memref<101x128xi32, #tpu.memory_space<vmem>>)
      tpu.yield
    }) : () -> ()
    %barrier3A = arith.constant 0 : index
    tpu.barrier barrier_id(%barrier3A)
    %scan3A = arith.constant 0 : i32
    %scan3A_3 = arith.constant 0 : i32
    %scan3A_4 = arith.constant 101 : i32
    %scan3A_5 = arith.addi %scan3A_3, %scan3A_4 : i32
    %scan3A_6 = arith.constant 1 : i32
    scf.for %scan3A_13 = %scan3A_3 to %scan3A_5 step %scan3A_6  : i32 {
      %eq3A = arith.constant 0 : i32
      %eq3A_14 = arith.cmpi eq, %arg0, %eq3A : i32
      %lt3A = arith.constant 56 : i32
      %lt3A_15 = arith.cmpi slt, %scan3A_13, %lt3A : i32
      %or3A = arith.ori %eq3A_14, %lt3A_15 : i1
      %convert_element_type3A = arith.extui %or3A : i1 to i32
      %cond3A = arith.constant 0 : i32
      %cond3A_16 = arith.cmpi ne, %convert_element_type3A, %cond3A : i32
      scf.if %cond3A_16 {
        %dma_start3A = arith.constant 0 : i32
        %dma_start3A_17 = tpu.memref_slice %arg7[%scan3A_13, %dma_start3A] : memref<101x128xi32, #tpu.memory_space<vmem>> -> memref<1x128xi32, #tpu.memory_space<vmem>>
        %dma_start3A_18 = tpu.memref_squeeze %dma_start3A_17 : memref<1x128xi32, #tpu.memory_space<vmem>> -> memref<128xi32, #tpu.memory_space<vmem>>
        %dma_start3A_19 = arith.constant 0 : i32
        %dma_start3A_20 = arith.constant 0 : i32
        %dma_start3A_21 = tpu.memref_slice %arg2[%dma_start3A_19, %dma_start3A_20] : memref<10000x128xf32, #tpu.memory_space<hbm>> -> memref<10000x128xf32, #tpu.memory_space<hbm>>
        tpu.enqueue_indirect_dma source(%dma_start3A_21 : memref<10000x128xf32, #tpu.memory_space<hbm>>) target(%arg9 : memref<128x128xf32, #tpu.memory_space<vmem>>) offsets(%dma_start3A_18 : memref<128xi32, #tpu.memory_space<vmem>>) semaphore(%arg11 : memref<!tpu.dma_semaphore, #tpu.memory_space<semaphore_mem>>)
        %dma_wait3A = arith.constant 0 : i32
        %dma_wait3A_22 = tpu.memref_slice %arg7[%scan3A_13, %dma_wait3A] : memref<101x128xi32, #tpu.memory_space<vmem>> -> memref<1x128xi32, #tpu.memory_space<vmem>>
        %dma_wait3A_23 = tpu.memref_squeeze %dma_wait3A_22 : memref<1x128xi32, #tpu.memory_space<vmem>> -> memref<128xi32, #tpu.memory_space<vmem>>
        %dma_wait3A_24 = arith.constant 0 : i32
        %dma_wait3A_25 = arith.constant 0 : i32
        %dma_wait3A_26 = tpu.memref_slice %arg2[%dma_wait3A_24, %dma_wait3A_25] : memref<10000x128xf32, #tpu.memory_space<hbm>> -> memref<10000x128xf32, #tpu.memory_space<hbm>>
        tpu.wait_indirect_dma semaphore(%arg11 : memref<!tpu.dma_semaphore, #tpu.memory_space<semaphore_mem>>) src(%dma_wait3A_26 : memref<10000x128xf32, #tpu.memory_space<hbm>>) dst(%arg9 : memref<128x128xf32, #tpu.memory_space<vmem>>)
        "tpu.region"() ({
          %run_scoped3A = tpu.sem_alloc : memref<!tpu.dma_semaphore, #tpu.memory_space<semaphore_mem>>
          %dma_start3A_27 = arith.constant 0 : i32
          %dma_start3A_28 = tpu.memref_slice %arg8[%scan3A_13, %dma_start3A_27] : memref<101x128xi32, #tpu.memory_space<vmem>> -> memref<1x128xi32, #tpu.memory_space<vmem>>
          %dma_start3A_29 = tpu.memref_squeeze %dma_start3A_28 : memref<1x128xi32, #tpu.memory_space<vmem>> -> memref<128xi32, #tpu.memory_space<vmem>>
          %dma_start3A_30 = arith.constant 0 : i32
          %dma_start3A_31 = arith.constant 0 : i32
          %dma_start3A_32 = tpu.memref_slice %arg10[%dma_start3A_30, %dma_start3A_31] : memref<10240x128xf32, #tpu.memory_space<vmem_shared>> -> memref<10240x128xf32, #tpu.memory_space<vmem_shared>>
          tpu.enqueue_indirect_dma source(%arg9 : memref<128x128xf32, #tpu.memory_space<vmem>>) target(%dma_start3A_32 : memref<10240x128xf32, #tpu.memory_space<vmem_shared>>) offsets(%dma_start3A_29 : memref<128xi32, #tpu.memory_space<vmem>>) semaphore(%run_scoped3A : memref<!tpu.dma_semaphore, #tpu.memory_space<semaphore_mem>>) {add = true}
          %dma_wait3A_33 = arith.constant 0 : i32
          %dma_wait3A_34 = tpu.memref_slice %arg8[%scan3A_13, %dma_wait3A_33] : memref<101x128xi32, #tpu.memory_space<vmem>> -> memref<1x128xi32, #tpu.memory_space<vmem>>
          %dma_wait3A_35 = tpu.memref_squeeze %dma_wait3A_34 : memref<1x128xi32, #tpu.memory_space<vmem>> -> memref<128xi32, #tpu.memory_space<vmem>>
          %dma_wait3A_36 = arith.constant 0 : i32
          %dma_wait3A_37 = arith.constant 0 : i32
          %dma_wait3A_38 = tpu.memref_slice %arg10[%dma_wait3A_36, %dma_wait3A_37] : memref<10240x128xf32, #tpu.memory_space<vmem_shared>> -> memref<10240x128xf32, #tpu.memory_space<vmem_shared>>
          tpu.wait_indirect_dma semaphore(%run_scoped3A : memref<!tpu.dma_semaphore, #tpu.memory_space<semaphore_mem>>) src(%arg9 : memref<128x128xf32, #tpu.memory_space<vmem>>) dst(%dma_wait3A_38 : memref<10240x128xf32, #tpu.memory_space<vmem_shared>>)
          tpu.yield
        }) : () -> ()
      } else {
      }
    }
    %scan3A_7 = arith.constant 101 : i32
    %barrier3A_8 = arith.constant 0 : index
    tpu.barrier barrier_id(%barrier3A_8)
    %mul3A_9 = arith.constant 640 : i32
    %mul3A_10 = arith.muli %arg1, %mul3A_9 : i32
    %mul3A_11 = arith.constant 640 : i32
    %mul3A_12 = arith.muli %arg1, %mul3A_11 : i32
    "tpu.region"() ({
      %run_scoped3A = tpu.sem_alloc : memref<!tpu.dma_semaphore, #tpu.memory_space<semaphore_mem>>
      %dma_start3A = arith.constant 0 : i32
      %dma_start3A_13 = tpu.memref_slice %arg6[%arg0, %mul3A_12, %dma_start3A] : memref<2x10240x128xf32, #tpu.memory_space<hbm>> -> memref<1x640x128xf32, #tpu.memory_space<hbm>>
      %dma_start3A_14 = tpu.memref_squeeze %dma_start3A_13 : memref<1x640x128xf32, #tpu.memory_space<hbm>> -> memref<640x128xf32, #tpu.memory_space<hbm>>
      %dma_start3A_15 = arith.constant 0 : i32
      %dma_start3A_16 = tpu.memref_slice %arg10[%mul3A_10, %dma_start3A_15] : memref<10240x128xf32, #tpu.memory_space<vmem_shared>> -> memref<640x128xf32, #tpu.memory_space<vmem_shared>>
      tpu.enqueue_dma source(%dma_start3A_16 : memref<640x128xf32, #tpu.memory_space<vmem_shared>>) target(%dma_start3A_14 : memref<640x128xf32, #tpu.memory_space<hbm>>) target_semaphore(%run_scoped3A : memref<!tpu.dma_semaphore, #tpu.memory_space<semaphore_mem>>)
      %dma_wait3A = arith.constant 0 : i32
      %dma_wait3A_17 = tpu.memref_slice %arg6[%arg0, %mul3A_12, %dma_wait3A] : memref<2x10240x128xf32, #tpu.memory_space<hbm>> -> memref<1x640x128xf32, #tpu.memory_space<hbm>>
      %dma_wait3A_18 = tpu.memref_squeeze %dma_wait3A_17 : memref<1x640x128xf32, #tpu.memory_space<hbm>> -> memref<640x128xf32, #tpu.memory_space<hbm>>
      %dma_wait3A_19 = arith.constant 0 : i32
      %dma_wait3A_20 = tpu.memref_slice %arg10[%mul3A_10, %dma_wait3A_19] : memref<10240x128xf32, #tpu.memory_space<vmem_shared>> -> memref<640x128xf32, #tpu.memory_space<vmem_shared>>
      tpu.wait_dma2 semaphore(%run_scoped3A : memref<!tpu.dma_semaphore, #tpu.memory_space<semaphore_mem>>) src(%dma_wait3A_20 : memref<640x128xf32, #tpu.memory_space<vmem_shared>>) dst(%dma_wait3A_18 : memref<640x128xf32, #tpu.memory_space<hbm>>)
      tpu.yield
    }) : () -> ()
    return
  }
}

module attributes {stable_mosaic.version = 14 : i64} {
  func.func @_tc0_body(%arg0: i32, %arg1: memref<1x1000x1xi32, #tpu.memory_space<vmem>>, %arg2: memref<2x1x1000x1xf32, #tpu.memory_space<vmem>>, %arg3: memref<8x128xf32, #tpu.memory_space<vmem>>, %arg4: memref<128x128xf32, #tpu.memory_space<vmem>>, %arg5: memref<1000x128xf32, #tpu.memory_space<vmem>>, %arg6: memref<1x1000x1xf32, #tpu.memory_space<vmem>>) attributes {dimension_semantics = [#tpu.dimension_semantics<arbitrary>], iteration_bounds = array<i64: 10>, scalar_prefetch = 0 : i64, scratch_operands = 0 : i64, tpu.core_type = #tpu.core_type<tc>, window_params = [{transform_indices = @transform_0, window_bounds = array<i64: 1, 1000, 1>}, {transform_indices = @transform_1, window_bounds = array<i64: 2, 1, 1000, 1>}, {pipeline_mode = #tpu.pipeline_mode<synchronous>, transform_indices = @transform_2, window_bounds = array<i64: 8, 128>}, {pipeline_mode = #tpu.pipeline_mode<synchronous>, transform_indices = @transform_3, window_bounds = array<i64: 128, 128>}, {transform_indices = @transform_4, window_bounds = array<i64: 1000, 128>}, {transform_indices = @transform_5, window_bounds = array<i64: 1, 1000, 1>}]} {
    %get3A = arith.constant 0 : index
    %get3A_0 = arith.constant 0 : index
    %get3A_1 = arith.constant 0 : index
    %get3A_2 = arith.constant 0 : index
    %get3A_3 = vector.load %arg2[%get3A, %get3A_0, %get3A_1, %get3A_2] : memref<2x1x1000x1xf32, #tpu.memory_space<vmem>>, vector<1x1x1000x1xf32>
    %get3A_4 = vector.shape_cast %get3A_3 : vector<1x1x1000x1xf32> to vector<1000x1xf32>
    %get3A_5 = arith.constant 1 : index
    %get3A_6 = arith.constant 0 : index
    %get3A_7 = arith.constant 0 : index
    %get3A_8 = arith.constant 0 : index
    %get3A_9 = vector.load %arg2[%get3A_5, %get3A_6, %get3A_7, %get3A_8] : memref<2x1x1000x1xf32, #tpu.memory_space<vmem>>, vector<1x1x1000x1xf32>
    %get3A_10 = vector.shape_cast %get3A_9 : vector<1x1x1000x1xf32> to vector<1000x1xf32>
    %add3A = arith.addf %get3A_4, %get3A_10 : vector<1000x1xf32>
    %add3A_11 = arith.constant 1.000000e+00 : f32
    %add3A_12 = vector.broadcast %add3A_11 : f32 to vector<1000x1xf32>
    %add3A_13 = arith.addf %add3A, %add3A_12 : vector<1000x1xf32>
    %rsqrt3A = math.rsqrt %add3A_13 : vector<1000x1xf32>
    %swap3A = arith.constant 0 : index
    %swap3A_14 = arith.constant 0 : index
    %swap3A_15 = arith.constant 0 : index
    %swap3A_16 = vector.load %arg6[%swap3A, %swap3A_14, %swap3A_15] : memref<1x1000x1xf32, #tpu.memory_space<vmem>>, vector<1x1000x1xf32>
    %swap3A_17 = vector.shape_cast %swap3A_16 : vector<1x1000x1xf32> to vector<1000x1xf32>
    %swap3A_18 = vector.shape_cast %rsqrt3A : vector<1000x1xf32> to vector<1x1000x1xf32>
    tpu.vector_store %arg6[%swap3A, %swap3A_14, %swap3A_15], %swap3A_18 {strides = array<i32>} : memref<1x1000x1xf32, #tpu.memory_space<vmem>>, vector<1x1000x1xf32>,
    %get3A_19 = arith.constant 0 : index
    %get3A_20 = arith.constant 0 : index
    %get3A_21 = arith.constant 0 : index
    %get3A_22 = vector.load %arg1[%get3A_19, %get3A_20, %get3A_21] : memref<1x1000x1xi32, #tpu.memory_space<vmem>>, vector<1x1000x1xi32>
    %get3A_23 = vector.shape_cast %get3A_22 : vector<1x1000x1xi32> to vector<1000x1xi32>
    %broadcast_in_dim3A = arith.constant 0.000000e+00 : f32
    %broadcast_in_dim3A_24 = vector.broadcast %broadcast_in_dim3A : f32 to vector<1000x128xf32>
    %eq3A = arith.constant 0 : i32
    %eq3A_25 = vector.broadcast %eq3A : i32 to vector<1000x1xi32>
    %eq3A_26 = arith.cmpi eq, %get3A_23, %eq3A_25 : vector<1000x1xi32>
    %get3A_27 = arith.constant 0 : index
    %get3A_28 = arith.constant 0 : index
    %get3A_29 = vector.load %arg3[%get3A_27, %get3A_28] : memref<8x128xf32, #tpu.memory_space<vmem>>, vector<1x128xf32>
    %jit3A = arith.constant 0.000000e+00 : f32
    %broadcast_in_dim3A_30 = vector.shape_cast %eq3A_26 : vector<1000x1xi1> to vector<1000x1xi1>
    %broadcast_in_dim3A_31 = vector.broadcast %broadcast_in_dim3A_30 : vector<1000x1xi1> to vector<1000x128xi1>
    %broadcast_in_dim3A_32 = vector.shape_cast %get3A_29 : vector<1x128xf32> to vector<1x128xf32>
    %broadcast_in_dim3A_33 = vector.broadcast %broadcast_in_dim3A_32 : vector<1x128xf32> to vector<1000x128xf32>
    %broadcast_in_dim3A_34 = vector.broadcast %jit3A : f32 to vector<1000x128xf32>
    %select_n3A = arith.select %broadcast_in_dim3A_31, %broadcast_in_dim3A_33, %broadcast_in_dim3A_34 : vector<1000x128xi1>, vector<1000x128xf32>
    %add3A_35 = arith.addf %broadcast_in_dim3A_24, %select_n3A : vector<1000x128xf32>
    %eq3A_36 = arith.constant 1 : i32
    %eq3A_37 = vector.broadcast %eq3A_36 : i32 to vector<1000x1xi32>
    %eq3A_38 = arith.cmpi eq, %get3A_23, %eq3A_37 : vector<1000x1xi32>
    %get3A_39 = arith.constant 1 : index
    %get3A_40 = arith.constant 0 : index
    %get3A_41 = vector.load %arg3[%get3A_39, %get3A_40] : memref<8x128xf32, #tpu.memory_space<vmem>>, vector<1x128xf32>
    %jit3A_42 = arith.constant 0.000000e+00 : f32
    %broadcast_in_dim3A_43 = vector.shape_cast %eq3A_38 : vector<1000x1xi1> to vector<1000x1xi1>
    %broadcast_in_dim3A_44 = vector.broadcast %broadcast_in_dim3A_43 : vector<1000x1xi1> to vector<1000x128xi1>
    %broadcast_in_dim3A_45 = vector.shape_cast %get3A_41 : vector<1x128xf32> to vector<1x128xf32>
    %broadcast_in_dim3A_46 = vector.broadcast %broadcast_in_dim3A_45 : vector<1x128xf32> to vector<1000x128xf32>
    %broadcast_in_dim3A_47 = vector.broadcast %jit3A_42 : f32 to vector<1000x128xf32>
    %select_n3A_48 = arith.select %broadcast_in_dim3A_44, %broadcast_in_dim3A_46, %broadcast_in_dim3A_47 : vector<1000x128xi1>, vector<1000x128xf32>
    %add3A_49 = arith.addf %add3A_35, %select_n3A_48 : vector<1000x128xf32>
    %eq3A_50 = arith.constant 2 : i32
    %eq3A_51 = vector.broadcast %eq3A_50 : i32 to vector<1000x1xi32>
    %eq3A_52 = arith.cmpi eq, %get3A_23, %eq3A_51 : vector<1000x1xi32>
    %get3A_53 = arith.constant 2 : index
    %get3A_54 = arith.constant 0 : index
    %get3A_55 = vector.load %arg3[%get3A_53, %get3A_54] : memref<8x128xf32, #tpu.memory_space<vmem>>, vector<1x128xf32>
    %jit3A_56 = arith.constant 0.000000e+00 : f32
    %broadcast_in_dim3A_57 = vector.shape_cast %eq3A_52 : vector<1000x1xi1> to vector<1000x1xi1>
    %broadcast_in_dim3A_58 = vector.broadcast %broadcast_in_dim3A_57 : vector<1000x1xi1> to vector<1000x128xi1>
    %broadcast_in_dim3A_59 = vector.shape_cast %get3A_55 : vector<1x128xf32> to vector<1x128xf32>
    %broadcast_in_dim3A_60 = vector.broadcast %broadcast_in_dim3A_59 : vector<1x128xf32> to vector<1000x128xf32>
    %broadcast_in_dim3A_61 = vector.broadcast %jit3A_56 : f32 to vector<1000x128xf32>
    %select_n3A_62 = arith.select %broadcast_in_dim3A_58, %broadcast_in_dim3A_60, %broadcast_in_dim3A_61 : vector<1000x128xi1>, vector<1000x128xf32>
    %add3A_63 = arith.addf %add3A_49, %select_n3A_62 : vector<1000x128xf32>
    %eq3A_64 = arith.constant 3 : i32
    %eq3A_65 = vector.broadcast %eq3A_64 : i32 to vector<1000x1xi32>
    %eq3A_66 = arith.cmpi eq, %get3A_23, %eq3A_65 : vector<1000x1xi32>
    %get3A_67 = arith.constant 3 : index
    %get3A_68 = arith.constant 0 : index
    %get3A_69 = vector.load %arg3[%get3A_67, %get3A_68] : memref<8x128xf32, #tpu.memory_space<vmem>>, vector<1x128xf32>
    %jit3A_70 = arith.constant 0.000000e+00 : f32
    %broadcast_in_dim3A_71 = vector.shape_cast %eq3A_66 : vector<1000x1xi1> to vector<1000x1xi1>
    %broadcast_in_dim3A_72 = vector.broadcast %broadcast_in_dim3A_71 : vector<1000x1xi1> to vector<1000x128xi1>
    %broadcast_in_dim3A_73 = vector.shape_cast %get3A_69 : vector<1x128xf32> to vector<1x128xf32>
    %broadcast_in_dim3A_74 = vector.broadcast %broadcast_in_dim3A_73 : vector<1x128xf32> to vector<1000x128xf32>
    %broadcast_in_dim3A_75 = vector.broadcast %jit3A_70 : f32 to vector<1000x128xf32>
    %select_n3A_76 = arith.select %broadcast_in_dim3A_72, %broadcast_in_dim3A_74, %broadcast_in_dim3A_75 : vector<1000x128xi1>, vector<1000x128xf32>
    %add3A_77 = arith.addf %add3A_63, %select_n3A_76 : vector<1000x128xf32>
    %eq3A_78 = arith.constant 4 : i32
    %eq3A_79 = vector.broadcast %eq3A_78 : i32 to vector<1000x1xi32>
    %eq3A_80 = arith.cmpi eq, %get3A_23, %eq3A_79 : vector<1000x1xi32>
    %get3A_81 = arith.constant 4 : index
    %get3A_82 = arith.constant 0 : index
    %get3A_83 = vector.load %arg3[%get3A_81, %get3A_82] : memref<8x128xf32, #tpu.memory_space<vmem>>, vector<1x128xf32>
    %jit3A_84 = arith.constant 0.000000e+00 : f32
    %broadcast_in_dim3A_85 = vector.shape_cast %eq3A_80 : vector<1000x1xi1> to vector<1000x1xi1>
    %broadcast_in_dim3A_86 = vector.broadcast %broadcast_in_dim3A_85 : vector<1000x1xi1> to vector<1000x128xi1>
    %broadcast_in_dim3A_87 = vector.shape_cast %get3A_83 : vector<1x128xf32> to vector<1x128xf32>
    %broadcast_in_dim3A_88 = vector.broadcast %broadcast_in_dim3A_87 : vector<1x128xf32> to vector<1000x128xf32>
    %broadcast_in_dim3A_89 = vector.broadcast %jit3A_84 : f32 to vector<1000x128xf32>
    %select_n3A_90 = arith.select %broadcast_in_dim3A_86, %broadcast_in_dim3A_88, %broadcast_in_dim3A_89 : vector<1000x128xi1>, vector<1000x128xf32>
    %add3A_91 = arith.addf %add3A_77, %select_n3A_90 : vector<1000x128xf32>
    %eq3A_92 = arith.constant 5 : i32
    %eq3A_93 = vector.broadcast %eq3A_92 : i32 to vector<1000x1xi32>
    %eq3A_94 = arith.cmpi eq, %get3A_23, %eq3A_93 : vector<1000x1xi32>
    %get3A_95 = arith.constant 5 : index
    %get3A_96 = arith.constant 0 : index
    %get3A_97 = vector.load %arg3[%get3A_95, %get3A_96] : memref<8x128xf32, #tpu.memory_space<vmem>>, vector<1x128xf32>
    %jit3A_98 = arith.constant 0.000000e+00 : f32
    %broadcast_in_dim3A_99 = vector.shape_cast %eq3A_94 : vector<1000x1xi1> to vector<1000x1xi1>
    %broadcast_in_dim3A_100 = vector.broadcast %broadcast_in_dim3A_99 : vector<1000x1xi1> to vector<1000x128xi1>
    %broadcast_in_dim3A_101 = vector.shape_cast %get3A_97 : vector<1x128xf32> to vector<1x128xf32>
    %broadcast_in_dim3A_102 = vector.broadcast %broadcast_in_dim3A_101 : vector<1x128xf32> to vector<1000x128xf32>
    %broadcast_in_dim3A_103 = vector.broadcast %jit3A_98 : f32 to vector<1000x128xf32>
    %select_n3A_104 = arith.select %broadcast_in_dim3A_100, %broadcast_in_dim3A_102, %broadcast_in_dim3A_103 : vector<1000x128xi1>, vector<1000x128xf32>
    %add3A_105 = arith.addf %add3A_91, %select_n3A_104 : vector<1000x128xf32>
    %get3A_106 = arith.constant 0 : index
    %get3A_107 = arith.constant 0 : index
    %get3A_108 = vector.load %arg4[%get3A_106, %get3A_107] : memref<128x128xf32, #tpu.memory_space<vmem>>, vector<128x128xf32>
    %dot_general3A = arith.constant dense<0.000000e+00> : vector<1000x128xf32>
    %dot_general3A_109 = tpu.matmul %add3A_105, %get3A_108, %dot_general3A {dimension_numbers = #tpu.dot_dimension_numbers<[1], [0], [0], [1], [0, 0, 1, 1], [], []>, precision = #tpu.contract_precision<fp32>, transpose_lhs_hint = false} : vector<1000x128xf32>, vector<128x128xf32>, vector<1000x128xf32> -> vector<1000x128xf32>
    %mul3A = vector.broadcast %rsqrt3A : vector<1000x1xf32> to vector<1000x128xf32>
    %mul3A_110 = arith.mulf %mul3A, %dot_general3A_109 : vector<1000x128xf32>
    %swap3A_111 = arith.constant 0 : index
    %swap3A_112 = arith.constant 0 : index
    %swap3A_113 = vector.load %arg5[%swap3A_111, %swap3A_112] : memref<1000x128xf32, #tpu.memory_space<vmem>>, vector<1000x128xf32>
    tpu.vector_store %arg5[%swap3A_111, %swap3A_112], %mul3A_110 {strides = array<i32>} : memref<1000x128xf32, #tpu.memory_space<vmem>>, vector<1000x128xf32>,
    return
  }
  func.func @transform_0(%arg0: i32) -> (i32, i32, i32) {
    %c0_i32 = arith.constant 0 : i32
    %c0_i32_0 = arith.constant 0 : i32
    %c0_i32_1 = arith.constant 0 : i32
    return %arg0, %c0_i32, %c0_i32_0 : i32, i32, i32
  }
  func.func @transform_1(%arg0: i32) -> (i32, i32, i32, i32) {
    %c0_i32 = arith.constant 0 : i32
    %c0_i32_0 = arith.constant 0 : i32
    %c0_i32_1 = arith.constant 0 : i32
    %c0_i32_2 = arith.constant 0 : i32
    return %c0_i32, %arg0, %c0_i32_0, %c0_i32_1 : i32, i32, i32, i32
  }
  func.func @transform_2(%arg0: i32) -> (i32, i32) {
    %c0_i32 = arith.constant 0 : i32
    %c0_i32_0 = arith.constant 0 : i32
    %c0_i32_1 = arith.constant 0 : i32
    return %c0_i32, %c0_i32_0 : i32, i32
  }
  func.func @transform_3(%arg0: i32) -> (i32, i32) {
    %c0_i32 = arith.constant 0 : i32
    %c0_i32_0 = arith.constant 0 : i32
    %c0_i32_1 = arith.constant 0 : i32
    return %c0_i32, %c0_i32_0 : i32, i32
  }
  func.func @transform_4(%arg0: i32) -> (i32, i32) {
    %c0_i32 = arith.constant 0 : i32
    %c0_i32_0 = arith.constant 0 : i32
    return %arg0, %c0_i32 : i32, i32
  }
  func.func @transform_5(%arg0: i32) -> (i32, i32, i32) {
    %c0_i32 = arith.constant 0 : i32
    %c0_i32_0 = arith.constant 0 : i32
    %c0_i32_1 = arith.constant 0 : i32
    return %arg0, %c0_i32, %c0_i32_0 : i32, i32, i32
  }
}

module attributes {stable_mosaic.version = 14 : i64} {
  func.func @_tc1_body(%arg0: i32, %arg1: memref<2x1000x128xf32, #tpu.memory_space<vmem>>, %arg2: memref<1000x128xf32, #tpu.memory_space<vmem>>, %arg3: memref<1x1000x1xf32, #tpu.memory_space<vmem>>, %arg4: memref<128x128xf32, #tpu.memory_space<vmem>>, %arg5: memref<1x128xf32, #tpu.memory_space<vmem>>, %arg6: memref<1000x128xf32, #tpu.memory_space<vmem>>) attributes {dimension_semantics = [#tpu.dimension_semantics<arbitrary>], iteration_bounds = array<i64: 10>, scalar_prefetch = 0 : i64, scratch_operands = 0 : i64, tpu.core_type = #tpu.core_type<tc>, window_params = [{transform_indices = @transform_0, window_bounds = array<i64: 2, 1000, 128>}, {transform_indices = @transform_1, window_bounds = array<i64: 1000, 128>}, {transform_indices = @transform_2, window_bounds = array<i64: 1, 1000, 1>}, {pipeline_mode = #tpu.pipeline_mode<synchronous>, transform_indices = @transform_3, window_bounds = array<i64: 128, 128>}, {pipeline_mode = #tpu.pipeline_mode<synchronous>, transform_indices = @transform_4, window_bounds = array<i64: 1, 128>}, {transform_indices = @transform_5, window_bounds = array<i64: 1000, 128>}]} {
    %get3A = arith.constant 0 : index
    %get3A_0 = arith.constant 0 : index
    %get3A_1 = arith.constant 0 : index
    %get3A_2 = vector.load %arg3[%get3A, %get3A_0, %get3A_1] : memref<1x1000x1xf32, #tpu.memory_space<vmem>>, vector<1x1000x1xf32>
    %get3A_3 = vector.shape_cast %get3A_2 : vector<1x1000x1xf32> to vector<1000x1xf32>
    %get3A_4 = arith.constant 0 : index
    %get3A_5 = arith.constant 0 : index
    %get3A_6 = arith.constant 0 : index
    %get3A_7 = vector.load %arg1[%get3A_4, %get3A_5, %get3A_6] : memref<2x1000x128xf32, #tpu.memory_space<vmem>>, vector<1x1000x128xf32>
    %get3A_8 = vector.shape_cast %get3A_7 : vector<1x1000x128xf32> to vector<1000x128xf32>
    %get3A_9 = arith.constant 1 : index
    %get3A_10 = arith.constant 0 : index
    %get3A_11 = arith.constant 0 : index
    %get3A_12 = vector.load %arg1[%get3A_9, %get3A_10, %get3A_11] : memref<2x1000x128xf32, #tpu.memory_space<vmem>>, vector<1x1000x128xf32>
    %get3A_13 = vector.shape_cast %get3A_12 : vector<1x1000x128xf32> to vector<1000x128xf32>
    %add3A = arith.addf %get3A_8, %get3A_13 : vector<1000x128xf32>
    %get3A_14 = arith.constant 0 : index
    %get3A_15 = arith.constant 0 : index
    %get3A_16 = vector.load %arg2[%get3A_14, %get3A_15] : memref<1000x128xf32, #tpu.memory_space<vmem>>, vector<1000x128xf32>
    %add3A_17 = arith.addf %add3A, %get3A_16 : vector<1000x128xf32>
    %mul3A = vector.broadcast %get3A_3 : vector<1000x1xf32> to vector<1000x128xf32>
    %mul3A_18 = arith.mulf %mul3A, %add3A_17 : vector<1000x128xf32>
    %get3A_19 = arith.constant 0 : index
    %get3A_20 = arith.constant 0 : index
    %get3A_21 = vector.load %arg5[%get3A_19, %get3A_20] : memref<1x128xf32, #tpu.memory_space<vmem>>, vector<1x128xf32>
    %add3A_22 = vector.broadcast %get3A_21 : vector<1x128xf32> to vector<1000x128xf32>
    %add3A_23 = arith.addf %mul3A_18, %add3A_22 : vector<1000x128xf32>
    %max3A = arith.constant 0.000000e+00 : f32
    %max3A_24 = vector.broadcast %max3A : f32 to vector<1000x128xf32>
    %max3A_25 = arith.maximumf %add3A_23, %max3A_24 : vector<1000x128xf32>
    %get3A_26 = arith.constant 0 : index
    %get3A_27 = arith.constant 0 : index
    %get3A_28 = vector.load %arg4[%get3A_26, %get3A_27] : memref<128x128xf32, #tpu.memory_space<vmem>>, vector<128x128xf32>
    %dot_general3A = arith.constant dense<0.000000e+00> : vector<1000x128xf32>
    %dot_general3A_29 = tpu.matmul %max3A_25, %get3A_28, %dot_general3A {dimension_numbers = #tpu.dot_dimension_numbers<[1], [0], [0], [1], [0, 0, 1, 1], [], []>, precision = #tpu.contract_precision<fp32>, transpose_lhs_hint = false} : vector<1000x128xf32>, vector<128x128xf32>, vector<1000x128xf32> -> vector<1000x128xf32>
    %mul3A_30 = vector.broadcast %get3A_3 : vector<1000x1xf32> to vector<1000x128xf32>
    %mul3A_31 = arith.mulf %mul3A_30, %dot_general3A_29 : vector<1000x128xf32>
    %swap3A = arith.constant 0 : index
    %swap3A_32 = arith.constant 0 : index
    %swap3A_33 = vector.load %arg6[%swap3A, %swap3A_32] : memref<1000x128xf32, #tpu.memory_space<vmem>>, vector<1000x128xf32>
    tpu.vector_store %arg6[%swap3A, %swap3A_32], %mul3A_31 {strides = array<i32>} : memref<1000x128xf32, #tpu.memory_space<vmem>>, vector<1000x128xf32>,
    return
  }
  func.func @transform_0(%arg0: i32) -> (i32, i32, i32) {
    %c0_i32 = arith.constant 0 : i32
    %c0_i32_0 = arith.constant 0 : i32
    %c0_i32_1 = arith.constant 0 : i32
    return %c0_i32, %arg0, %c0_i32_0 : i32, i32, i32
  }
  func.func @transform_1(%arg0: i32) -> (i32, i32) {
    %c0_i32 = arith.constant 0 : i32
    %c0_i32_0 = arith.constant 0 : i32
    return %arg0, %c0_i32 : i32, i32
  }
  func.func @transform_2(%arg0: i32) -> (i32, i32, i32) {
    %c0_i32 = arith.constant 0 : i32
    %c0_i32_0 = arith.constant 0 : i32
    %c0_i32_1 = arith.constant 0 : i32
    return %arg0, %c0_i32, %c0_i32_0 : i32, i32, i32
  }
  func.func @transform_3(%arg0: i32) -> (i32, i32) {
    %c0_i32 = arith.constant 0 : i32
    %c0_i32_0 = arith.constant 0 : i32
    %c0_i32_1 = arith.constant 0 : i32
    return %c0_i32, %c0_i32_0 : i32, i32
  }
  func.func @transform_4(%arg0: i32) -> (i32, i32) {
    %c0_i32 = arith.constant 0 : i32
    %c0_i32_0 = arith.constant 0 : i32
    %c0_i32_1 = arith.constant 0 : i32
    return %c0_i32, %c0_i32_0 : i32, i32
  }
  func.func @transform_5(%arg0: i32) -> (i32, i32) {
    %c0_i32 = arith.constant 0 : i32
    %c0_i32_0 = arith.constant 0 : i32
    return %arg0, %c0_i32 : i32, i32
  }
}

module attributes {stable_mosaic.version = 14 : i64} {
  func.func @_tc2_body(%arg0: i32, %arg1: memref<2x1000x128xf32, #tpu.memory_space<vmem>>, %arg2: memref<1000x128xf32, #tpu.memory_space<vmem>>, %arg3: memref<1x1000x1xf32, #tpu.memory_space<vmem>>, %arg4: memref<1x128xf32, #tpu.memory_space<vmem>>, %arg5: memref<128x128xf32, #tpu.memory_space<vmem>>, %arg6: memref<1x128xf32, #tpu.memory_space<vmem>>, %arg7: memref<128x128xf32, #tpu.memory_space<vmem>>, %arg8: memref<1x128xf32, #tpu.memory_space<vmem>>, %arg9: memref<1000x128xf32, #tpu.memory_space<vmem>>, %arg10: memref<1000x128xf32, #tpu.memory_space<vmem>>) attributes {dimension_semantics = [#tpu.dimension_semantics<arbitrary>], iteration_bounds = array<i64: 10>, scalar_prefetch = 0 : i64, scratch_operands = 0 : i64, tpu.core_type = #tpu.core_type<tc>, window_params = [{transform_indices = @transform_0, window_bounds = array<i64: 2, 1000, 128>}, {transform_indices = @transform_1, window_bounds = array<i64: 1000, 128>}, {transform_indices = @transform_2, window_bounds = array<i64: 1, 1000, 1>}, {pipeline_mode = #tpu.pipeline_mode<synchronous>, transform_indices = @transform_3, window_bounds = array<i64: 1, 128>}, {pipeline_mode = #tpu.pipeline_mode<synchronous>, transform_indices = @transform_4, window_bounds = array<i64: 128, 128>}, {pipeline_mode = #tpu.pipeline_mode<synchronous>, transform_indices = @transform_5, window_bounds = array<i64: 1, 128>}, {pipeline_mode = #tpu.pipeline_mode<synchronous>, transform_indices = @transform_6, window_bounds = array<i64: 128, 128>}, {pipeline_mode = #tpu.pipeline_mode<synchronous>, transform_indices = @transform_7, window_bounds = array<i64: 1, 128>}, {transform_indices = @transform_8, window_bounds = array<i64: 1000, 128>}, {transform_indices = @transform_9, window_bounds = array<i64: 1000, 128>}]} {
    %get3A = arith.constant 0 : index
    %get3A_0 = arith.constant 0 : index
    %get3A_1 = arith.constant 0 : index
    %get3A_2 = vector.load %arg3[%get3A, %get3A_0, %get3A_1] : memref<1x1000x1xf32, #tpu.memory_space<vmem>>, vector<1x1000x1xf32>
    %get3A_3 = vector.shape_cast %get3A_2 : vector<1x1000x1xf32> to vector<1000x1xf32>
    %get3A_4 = arith.constant 0 : index
    %get3A_5 = arith.constant 0 : index
    %get3A_6 = arith.constant 0 : index
    %get3A_7 = vector.load %arg1[%get3A_4, %get3A_5, %get3A_6] : memref<2x1000x128xf32, #tpu.memory_space<vmem>>, vector<1x1000x128xf32>
    %get3A_8 = vector.shape_cast %get3A_7 : vector<1x1000x128xf32> to vector<1000x128xf32>
    %get3A_9 = arith.constant 1 : index
    %get3A_10 = arith.constant 0 : index
    %get3A_11 = arith.constant 0 : index
    %get3A_12 = vector.load %arg1[%get3A_9, %get3A_10, %get3A_11] : memref<2x1000x128xf32, #tpu.memory_space<vmem>>, vector<1x1000x128xf32>
    %get3A_13 = vector.shape_cast %get3A_12 : vector<1x1000x128xf32> to vector<1000x128xf32>
    %add3A = arith.addf %get3A_8, %get3A_13 : vector<1000x128xf32>
    %get3A_14 = arith.constant 0 : index
    %get3A_15 = arith.constant 0 : index
    %get3A_16 = vector.load %arg2[%get3A_14, %get3A_15] : memref<1000x128xf32, #tpu.memory_space<vmem>>, vector<1000x128xf32>
    %add3A_17 = arith.addf %add3A, %get3A_16 : vector<1000x128xf32>
    %mul3A = vector.broadcast %get3A_3 : vector<1000x1xf32> to vector<1000x128xf32>
    %mul3A_18 = arith.mulf %mul3A, %add3A_17 : vector<1000x128xf32>
    %get3A_19 = arith.constant 0 : index
    %get3A_20 = arith.constant 0 : index
    %get3A_21 = vector.load %arg4[%get3A_19, %get3A_20] : memref<1x128xf32, #tpu.memory_space<vmem>>, vector<1x128xf32>
    %add3A_22 = vector.broadcast %get3A_21 : vector<1x128xf32> to vector<1000x128xf32>
    %add3A_23 = arith.addf %mul3A_18, %add3A_22 : vector<1000x128xf32>
    %max3A = arith.constant 0.000000e+00 : f32
    %max3A_24 = vector.broadcast %max3A : f32 to vector<1000x128xf32>
    %max3A_25 = arith.maximumf %add3A_23, %max3A_24 : vector<1000x128xf32>
    %swap3A = arith.constant 0 : index
    %swap3A_26 = arith.constant 0 : index
    %swap3A_27 = vector.load %arg9[%swap3A, %swap3A_26] : memref<1000x128xf32, #tpu.memory_space<vmem>>, vector<1000x128xf32>
    tpu.vector_store %arg9[%swap3A, %swap3A_26], %max3A_25 {strides = array<i32>} : memref<1000x128xf32, #tpu.memory_space<vmem>>, vector<1000x128xf32>,
    %get3A_28 = arith.constant 0 : index
    %get3A_29 = arith.constant 0 : index
    %get3A_30 = vector.load %arg5[%get3A_28, %get3A_29] : memref<128x128xf32, #tpu.memory_space<vmem>>, vector<128x128xf32>
    %dot_general3A = arith.constant dense<0.000000e+00> : vector<1000x128xf32>
    %dot_general3A_31 = tpu.matmul %max3A_25, %get3A_30, %dot_general3A {dimension_numbers = #tpu.dot_dimension_numbers<[1], [0], [0], [1], [0, 0, 1, 1], [], []>, precision = #tpu.contract_precision<fp32>, transpose_lhs_hint = false} : vector<1000x128xf32>, vector<128x128xf32>, vector<1000x128xf32> -> vector<1000x128xf32>
    %get3A_32 = arith.constant 0 : index
    %get3A_33 = arith.constant 0 : index
    %get3A_34 = vector.load %arg6[%get3A_32, %get3A_33] : memref<1x128xf32, #tpu.memory_space<vmem>>, vector<1x128xf32>
    %add3A_35 = vector.broadcast %get3A_34 : vector<1x128xf32> to vector<1000x128xf32>
    %add3A_36 = arith.addf %dot_general3A_31, %add3A_35 : vector<1000x128xf32>
    %max3A_37 = arith.constant 0.000000e+00 : f32
    %max3A_38 = vector.broadcast %max3A_37 : f32 to vector<1000x128xf32>
    %max3A_39 = arith.maximumf %add3A_36, %max3A_38 : vector<1000x128xf32>
    %get3A_40 = arith.constant 0 : index
    %get3A_41 = arith.constant 0 : index
    %get3A_42 = vector.load %arg7[%get3A_40, %get3A_41] : memref<128x128xf32, #tpu.memory_space<vmem>>, vector<128x128xf32>
    %dot_general3A_43 = arith.constant dense<0.000000e+00> : vector<1000x128xf32>
    %dot_general3A_44 = tpu.matmul %max3A_39, %get3A_42, %dot_general3A_43 {dimension_numbers = #tpu.dot_dimension_numbers<[1], [0], [0], [1], [0, 0, 1, 1], [], []>, precision = #tpu.contract_precision<fp32>, transpose_lhs_hint = false} : vector<1000x128xf32>, vector<128x128xf32>, vector<1000x128xf32> -> vector<1000x128xf32>
    %get3A_45 = arith.constant 0 : index
    %get3A_46 = arith.constant 0 : index
    %get3A_47 = vector.load %arg8[%get3A_45, %get3A_46] : memref<1x128xf32, #tpu.memory_space<vmem>>, vector<1x128xf32>
    %add3A_48 = vector.broadcast %get3A_47 : vector<1x128xf32> to vector<1000x128xf32>
    %add3A_49 = arith.addf %dot_general3A_44, %add3A_48 : vector<1000x128xf32>
    %swap3A_50 = arith.constant 0 : index
    %swap3A_51 = arith.constant 0 : index
    %swap3A_52 = vector.load %arg10[%swap3A_50, %swap3A_51] : memref<1000x128xf32, #tpu.memory_space<vmem>>, vector<1000x128xf32>
    tpu.vector_store %arg10[%swap3A_50, %swap3A_51], %add3A_49 {strides = array<i32>} : memref<1000x128xf32, #tpu.memory_space<vmem>>, vector<1000x128xf32>,
    return
  }
  func.func @transform_0(%arg0: i32) -> (i32, i32, i32) {
    %c0_i32 = arith.constant 0 : i32
    %c0_i32_0 = arith.constant 0 : i32
    %c0_i32_1 = arith.constant 0 : i32
    return %c0_i32, %arg0, %c0_i32_0 : i32, i32, i32
  }
  func.func @transform_1(%arg0: i32) -> (i32, i32) {
    %c0_i32 = arith.constant 0 : i32
    %c0_i32_0 = arith.constant 0 : i32
    return %arg0, %c0_i32 : i32, i32
  }
  func.func @transform_2(%arg0: i32) -> (i32, i32, i32) {
    %c0_i32 = arith.constant 0 : i32
    %c0_i32_0 = arith.constant 0 : i32
    %c0_i32_1 = arith.constant 0 : i32
    return %arg0, %c0_i32, %c0_i32_0 : i32, i32, i32
  }
  func.func @transform_3(%arg0: i32) -> (i32, i32) {
    %c0_i32 = arith.constant 0 : i32
    %c0_i32_0 = arith.constant 0 : i32
    %c0_i32_1 = arith.constant 0 : i32
    return %c0_i32, %c0_i32_0 : i32, i32
  }
  func.func @transform_4(%arg0: i32) -> (i32, i32) {
    %c0_i32 = arith.constant 0 : i32
    %c0_i32_0 = arith.constant 0 : i32
    %c0_i32_1 = arith.constant 0 : i32
    return %c0_i32, %c0_i32_0 : i32, i32
  }
  func.func @transform_5(%arg0: i32) -> (i32, i32) {
    %c0_i32 = arith.constant 0 : i32
    %c0_i32_0 = arith.constant 0 : i32
    %c0_i32_1 = arith.constant 0 : i32
    return %c0_i32, %c0_i32_0 : i32, i32
  }
  func.func @transform_6(%arg0: i32) -> (i32, i32) {
    %c0_i32 = arith.constant 0 : i32
    %c0_i32_0 = arith.constant 0 : i32
    %c0_i32_1 = arith.constant 0 : i32
    return %c0_i32, %c0_i32_0 : i32, i32
  }
  func.func @transform_7(%arg0: i32) -> (i32, i32) {
    %c0_i32 = arith.constant 0 : i32
    %c0_i32_0 = arith.constant 0 : i32
    %c0_i32_1 = arith.constant 0 : i32
    return %c0_i32, %c0_i32_0 : i32, i32
  }
  func.func @transform_8(%arg0: i32) -> (i32, i32) {
    %c0_i32 = arith.constant 0 : i32
    %c0_i32_0 = arith.constant 0 : i32
    return %arg0, %c0_i32 : i32, i32
  }
  func.func @transform_9(%arg0: i32) -> (i32, i32) {
    %c0_i32 = arith.constant 0 : i32
    %c0_i32_0 = arith.constant 0 : i32
    return %arg0, %c0_i32 : i32, i32
  }
}

</mosaic_0001>

<sc_bundles>
// kernel: kernel.11.cloned.1.call-start
scs
__scs_entry_jumppad:
0x0: {  	(pc) =	sbr.rel $0x88, $3  }
0x1: {  	(tag) =	ssettag $0x0;
	lr =	simm.s32 $0x1  }
0x2: {  	[smem:$0x3F96] =	sst lr;
	_ =	strace $0xD0000000  }
0x3: {  	_ = 	snop  }
0x4: {  	_ = 	snop  }
0x5: {  	_ = 	snop  }
0x6: {  	_ = 	snop  }
0x7: {  	_ = 	snop  }
__scs_overlays_trampoline_lowered:
0x8: {  	[smem:$0x3FA5] =	sst s0  }
0x9: {  	[smem:$0x3FA6] =	sst s1  }
0xa: {  	[smem:$0x3FA7] =	sst s2  }
0xb: {  	[smem:$0x3FA8] =	sst s3  }
0xc: {  	[smem:$0x3FA9] =	sst s4  }
0xd: {  	[smem:$0x3FAA] =	sst s5  }
0xe: {  	[smem:$0x3FAB] =	sst s6  }
0xf: {  	[smem:$0x3FAC] =	sst s7  }
0x10: {  	[smem:$0x3FAD] =	sst s8  }
0x11: {  	[smem:$0x3FAE] =	sst s9;
	s0 =	simm.s32 @!p0 $0x0  }
0x12: {  	s1 =	sld [smem:$0x3F94];
	s0 =	simm.s32 @p0 $0x1  }
0x13: {  	[smem:$0x3FAF] =	sst s0;
	s0 =	simm.s32 @!p1 $0x0  }
0x14: {  	s2 =	sld [smem:$0x3F93];
	s0 =	simm.s32 @p1 $0x1  }
0x15: {  	[smem:$0x3FB0] =	sst s0;
	s0 =	simm.s32 @!p2 $0x0  }
0x16: {  	s3 =	sld [smem:$0x3FDB];
	s0 =	simm.s32 @p2 $0x1  }
0x17: {  	s4 =	simm.s32 $0x1BF5;
	[smem:$0x3FB2] =	sst s0  }
0x18: {  	s0 =	sld [smem:$0x3F95];
	_ =	swait.ge [sflag:s4], $0x0  }
0x19: {  	s7 =	sld [smem:$0x3F96]  }
0x1a: {  	s8 =	sadd.s32 $0xFFFFE003, lr  }
0x1b: {  	s9 =	sadd.s32 $0xFFFFFEF7, lr;
	s5 =	simm.s32 $0xFFFFFFFF;
	p2 =	slt.u32 s8, $0xFFFFF086  }
0x1c: {  	p1 =	slt.u32 s9, $0xF7A;
	s5 =	simm.s32 @!p2 $0x0  }
0x1d: {  	s5 =	simm.s32 @p1 $0x1;
	p0 =	seq.s32 s7, s2  }
0x1e: {  	s7 =	smul.u32 @!p0 $0xF7A, s2;
	p2 =	seq.s32 @!p0 s5, $0x0  }
0x1f: {  	s9 =	smul.u32 $0xF7A, s1;
	s8 =	simm.s32 @!p0 $0x1BF5;
	p2 =	por !p2, p0  }
0x20: {  	[sflag:s8] =	ssyncset.s32 @!p0 $0xFFFFF086;
	s6 =	sadd.s32 @!p0 s3, s7;
	s7 =	simm.s32 @!p0 $0x108  }
0x21: {  	s3 =	sadd.s32 s3, s9;
	s6 =	sadd.s32 @!p0 $0x88, s6;
	s7 =	simm.s32 @p2 $0x1082  }
0x22: {  	[simem:s7], [sflag:s8] =	dma.local @!p0 [hbm:s6], $0xF7A  }
0x23: {  	s9 =	sor.u32 $0xD0000000, s2;
	s6 =	simm.s32 $0x108;
	_ =	swait.ge @!p0 [sflag:s8], $0x0  }
0x24: {  	s3 =	sadd.s32 $0x88, s3;
	s6 =	simm.s32 @!p1 $0x1082;
	[sflag:s4] =	ssyncset.s32 $0xFFFFF086  }
0x25: {  	[simem:s6], [sflag:s4] =	dma.local [hbm:s3], $0xF7A  }
0x26: {  	[smem:$0x3F96] =	sst s1;
	(tag) =	ssettag s2;
	_ =	strace s9  }
0x27: {  	s1 =	sld [smem:$0x3FA6]  }
0x28: {  	s2 =	sld [smem:$0x3FA7]  }
0x29: {  	s4 =	sld [smem:$0x3FA9]  }
0x2a: {  	p0 =	seq.s32 s5, $0x0;
	s5 =	sld [smem:$0x3FAA]  }
0x2b: {  	s6 =	sld [smem:$0x3FAB]  }
0x2c: {  	s7 =	sld [smem:$0x3FAC]  }
0x2d: {  	s3 =	simm.s32 $0x108;
	s8 =	sld [smem:$0x3FAD]  }
0x2e: {  	s3 =	simm.s32 @!p0 $0x1082;
	s9 =	sld [smem:$0x3FAE]  }
0x2f: {  	lr =	sadd.s32 s0, s3;
	s0 =	sld [smem:$0x3FA5]  }
0x30: {  	s3 =	sld [smem:$0x3FA8]  }
0x31: {  	[smem:$0x3FB1] =	sst s10  }
0x32: {  	s10 =	sld [smem:$0x3FAF];
	_ =	sdelay $0x3  }
0x33: {  	p0 =	seq.s32 s10, $0x1;
	s10 =	sld [smem:$0x3FB1];
	_ =	sdelay $0x3  }
0x34: {  	[smem:$0x3FB1] =	sst s10  }
0x35: {  	s10 =	sld [smem:$0x3FB0];
	_ =	sdelay $0x3  }
0x36: {  	p1 =	seq.s32 s10, $0x1;
	s10 =	sld [smem:$0x3FB1];
	_ =	sdelay $0x3  }
0x37: {  	[smem:$0x3FB1] =	sst s10  }
0x38: {  	s10 =	sld [smem:$0x3FB2]  }
0x39: {  	_ = 	snop;
	(pc) =	sbr.ind lr, $3  }
0x3a: {  	_ = 	snop  }
0x3b: {  	_ = 	snop  }
0x3c: {  	p2 =	seq.s32 s10, $0x1;
	s10 =	sld [smem:$0x3FB1]  }
0x3d: {  	_ =	shalt  }
0x3e: {  	_ =	shalt  }
0x3f: {  	_ =	shalt  }
0x40: {  	_ =	shalt  }
0x41: {  	_ =	shalt  }
0x42: {  	_ =	shalt  }
0x43: {  	_ =	shalt  }
0x44: {  	_ =	shalt  }
0x45: {  	_ =	shalt  }
0x46: {  	_ =	shalt  }
0x47: {  	_ =	shalt  }
0x48: {  	_ =	shalt  }
0x49: {  	_ =	shalt  }
0x4a: {  	_ =	shalt  }
0x4b: {  	_ =	shalt  }
0x4c: {  	_ =	shalt  }
0x4d: {  	_ =	shalt  }
0x4e: {  	_ =	shalt  }
0x4f: {  	_ =	shalt  }
0x50: {  	_ =	shalt  }
0x51: {  	_ =	shalt  }
0x52: {  	_ =	shalt  }
0x53: {  	_ =	shalt  }
0x54: {  	_ =	shalt  }
0x55: {  	_ =	shalt  }
0x56: {  	_ =	shalt  }
0x57: {  	_ =	shalt  }
0x58: {  	_ =	shalt  }
0x59: {  	_ =	shalt  }
0x5a: {  	_ =	shalt  }
0x5b: {  	_ =	shalt  }
0x5c: {  	_ =	shalt  }
0x5d: {  	_ =	shalt  }
0x5e: {  	_ =	shalt  }
0x5f: {  	_ =	shalt  }
0x60: {  	_ =	shalt  }
0x61: {  	_ =	shalt  }
0x62: {  	_ =	shalt  }
0x63: {  	_ =	shalt  }
0x64: {  	_ =	shalt  }
0x65: {  	_ =	shalt  }
0x66: {  	_ =	shalt  }
0x67: {  	_ =	shalt  }
0x68: {  	_ =	shalt  }
0x69: {  	_ =	shalt  }
0x6a: {  	_ =	shalt  }
0x6b: {  	_ =	shalt  }
0x6c: {  	_ =	shalt  }
0x6d: {  	_ =	shalt  }
0x6e: {  	_ =	shalt  }
0x6f: {  	_ =	shalt  }
0x70: {  	_ =	shalt  }
0x71: {  	_ =	shalt  }
0x72: {  	_ =	shalt  }
0x73: {  	_ =	shalt  }
0x74: {  	_ =	shalt  }
0x75: {  	_ =	shalt  }
0x76: {  	_ =	shalt  }
0x77: {  	_ =	shalt  }
0x78: {  	_ =	shalt  }
0x79: {  	_ =	shalt  }
0x7a: {  	_ =	shalt  }
0x7b: {  	_ =	shalt  }
0x7c: {  	_ =	shalt  }
0x7d: {  	_ =	shalt  }
0x7e: {  	_ =	shalt  }
0x7f: {  	_ =	shalt  }
0x80: {  	_ =	shalt  }
0x81: {  	_ =	shalt  }
0x82: {  	_ =	shalt  }
0x83: {  	_ =	shalt  }
0x84: {  	_ =	shalt  }
0x85: {  	_ =	shalt  }
0x86: {  	_ =	shalt  }
0x87: {  	_ =	shalt  }
.Lfunc_end0:
.L_simem_size_0:
called_computation.1_lowered:
.L_overlay_start_0:
0x88: {  	s2 =	sld [smem:$0x3FD9]  }
0x89: {  	s3 =	sld [smem:$0x3FFE];
	_ =	sdelay $0x1  }
0x8a: {  	s1 =	srdreg.scid  }
0x8b: {  	s0 =	sand.u32 $0x1, s1  }
0x8c: {  	s14 =	sshll.u32 s0, $0xA;
	s2 =	sadd.s32 s3, s2  }
0x8d: {  	s2 =	sadd.s32 s2, s14  }
0x8e: {  	[smem:$0x3FBD] =	sst s2  }
0x8f: {  	_ = 	snop  }
0x90: {  	s2 =	sld [smem:$0x3FD0];
	_ =	sdelay $0x2  }
0x91: {  	s15 =	simm.s32 $0xA;
	s4 =	simm.s32 $0x10  }
0x92: {  	[smem:s4], [sflag:s15] =	dma.local [hbm:s2], $0x1  }
0x93: {  	_ =	swait.eq [sflag:s15], $0x1  }
0x94: {  	[sflag:s15] =	ssyncset.done $0x0  }
0x95: {  	s16 =	sld [smem:$0x10];
	[sflag:s15] =	ssyncadd.s32 $0xFFFFFFFF  }
0x96: {  	s17 =	sld [smem:$0x11];
	(tm) =	ssettm $0x1  }
0x97: {  	s18 =	sld [smem:$0x3FFB];
	_ =	sdelay $0x3  }
0x98: {  	_ =	strace s18  }
0x99: {  	s4 =	sld [smem:$0x3FFC];
	_ =	sdelay $0x3  }
0x9a: {  	_ =	strace s4  }
0x9b: {  	s4 =	sld [smem:$0x3FFD];
	_ =	sdelay $0x3  }
0x9c: {  	_ =	strace s4  }
0x9d: {  	_ =	strace $0x8FFFFFFF  }
0x9e: {  	s19 =	sld [smem:$0x3FDB];
	_ =	sdelay $0x1  }
0x9f: {  	s5 =	simm.s32 $_scs_section_size  }
0xa0: {  	s6 =	simm.s32 $_size__tile_overlayer_lowered;
	s7 =	simm.s32 $_tile_overlayer_lowered  }
0xa1: {  	s22 =	simm.s32 $0x1BFF;
	s21 =	sshll.u32 s7, $0x1;
	s4 =	sadd.s32 s5, s19  }
0xa2: {  	s8 =	simm.s32 $0x0;
	s20 =	sshll.u32 s6, $0x1;
	s6 =	sadd.s32 s21, s4  }
0xa3: {  	[timem:s8], [sflag:s22] =	dma.local [hbm:s6], s20  }
0xa4: {  	_ =	swait.ge [sflag:s22], s20  }
0xa5: {  	s5 =	ssub.s32 $0x0, s20;
	[sflag:s22] =	ssyncset.done $0x0  }
0xa6: {  	[sflag:s22] =	ssyncadd.s32 s5;
	_ =	sdelay $0x1  }
0xa7: {  	s23 =	simm.s32 $0x1B8B  }
0xa8: {  	_ =	swait.ge [sflag:s23], $0x1  }
0xa9: {  	[sflag:s23] =	ssyncset.done $0x0  }
0xaa: {  	s25 =	simm.s32 $0x1B8E;
	s24 =	sld [smem:$0x3FFE];
	[sflag:s23] =	ssyncadd.s32 $0xFFFFFFFF  }
0xab: {  	s26 =	simm.s32 $execute0_lowered;
	[smem:$0x3FD2] =	sst s25  }
0xac: {  	s6 =	sshll.u32 s26, $0x1;
	_ =	strace $0x80000049;
	[dreg:$0x1] =	wrdreg $0xFFFFFFFF  }
0xad: {  	s28 =	simm.s32 $_size_execute0_lowered;
	s4 =	sadd.s32 s4, s6;
	[dreg:$0x0] =	wrdreg $0x0  }
0xae: {  	s6 =	sshll.u32 s28, $0x1;
	[dreg:$0x2] =	wrdreg s4  }
0xaf: {  	[dreg:$0x3] =	wrdreg s6  }
0xb0: {  	[dreg:$0x4] =	wrdreg $0xC0  }
0xb1: {  	_ =	task [dreg:s8], $0x5FFFF  }
0xb2: {  	[dreg:$0x1] =	wrdreg $0xFFFFFFFF  }
0xb3: {  	[dreg:$0x0] =	wrdreg $0x60  }
0xb4: {  	[dreg:$0x2] =	wrdreg s17  }
0xb5: {  	[dreg:$0x3] =	wrdreg s16  }
0xb6: {  	[dreg:$0x4] =	wrdreg s24  }
0xb7: {  	[dreg:$0x5] =	wrdreg $0xA8000  }
0xb8: {  	[dreg:$0x6] =	wrdreg $0x9  }
0xb9: {  	_ =	task.clear_ibuf [dreg:s8], $0x7FFFF;
	_ =	strace $0x90000049  }
0xba: {  	s29 =	simm.s32 $0x9;
	_ =	strace $0x8000004B  }
0xbb: {  	_ =	swait.ge [sflag:s29], $0x1  }
0xbc: {  	[sflag:s29] =	ssyncadd.s32 $0xFFFFFFFF  }
0xbd: {  	_ =	strace $0x9000004B  }
0xbe: {  	_ =	sfence  }
0xbf: {  	s30 =	sld [smem:$0x0];
	_ =	sdelay $0x2  }
0xc0: {  	s31 =	sshll.u32 s1, $0xD;
	s1 =	sshrl.u32 s1, $0x2  }
0xc1: {  	s3 =	sand.u32 $0x4000, s31;
	s1 =	sadd.s32 s1, s30  }
0xc2: {  	s0 =	sor.u32 s3, s0;
	s1 =	sshll.u32 s1, $0x11  }
0xc3: {  	s0 =	sor.u32 s1, s0  }
0xc4: {  	s0 =	sadd.s32 $0x8F2B, s0  }
0xc5: {  	[sflag:s0] =	ssyncadd.remote.s32 $0x1  }
0xc6: {  	_ =	sfence.sel $0xFFFF  }
0xc7: {  	[dreg:$0x0] =	wrdreg $0xFFFFFFFF;
	(pc) =	sbr.abs _section_cstart, $3  }
0xc8: {  	[dreg:$0x1] =	wrdreg $0xFFFFFFFF  }
0xc9: {  	_ =	task.clear_ibuf [dreg:s8], $0x2FFFF;
	_ =	strace $0x9FFFFFFF  }
0xca: {  	(tm) =	ssettm $0x7FFFFFFF  }
0xcb: {  	_ =	shalt  }
tec
execute0_lowered:
.L_overlay_start_1:
0x0: {  	(tag) =	ssettag $0x1  }
0x1: {  	s1 =	rddreg [dreg:$0x0]  }
0x2: {  	s7 =	rddreg [dreg:$0x1]  }
0x3: {  	s0 =	srdreg.scid;
	s6 =	rddreg [dreg:$0x2]  }
0x4: {  	s3 =	rddreg [dreg:$0x3];
	s4 =	simm.s32 $0x0;
	s13 =	sand.u32 $0x1, s0  }
0x5: {  	s14 =	simm.s32 $0x6800;
	s0 =	stileid.u32;
	s5 =	smul.u32 $0x140000, s13  }
0x6: {  	s15 =	simm.s32 $0x1;
	s16 =	simm.s32 $0x0;
	s9 =	smul.u32 $0x14000, s0  }
0x7: {  	[smem:$0x7FF] =	sst s4;
	s2 =	sshll.u32 s13, $0x4;
	s11 =	smul.u32 $0x50000, s0  }
0x8: {  	s12 =	ssub.s32 $0x2, s13;
	s31 =	sshll.u32 s0, $0x6;
	p0 =	seq.s32 s13, $0x0  }
0x9: {  	s13 =	simm.s32 $0x80;
	s2 =	sor.u32 s0, s2;
	s30 =	sshrl.u32 s12, $0x1  }
0xa: {  	s8 =	smul.u32 $0x680, s2;
	s2 =	rddreg [dreg:$0x4];
	_ =	strace $0x8000004A  }
0xb: {  	s9 =	sadd.s32 s9, s5;
	s5 =	sadd.s32 $0x2600, s6;
	s11 =	sshrl.u32 s11, $0x2  }
0xc: {  	s12 =	ssub.s32 s12, s30;
	s9 =	sshrl.u32 s9, $0x3;
	s11 =	sadd.s32 s11, s3  }
0xd: {  	s10 =	sadd.s32 s8, s6;
	s9 =	sadd.s32 s9, s6;
	s6 =	sor.u32 $0x1C02, s31  }
0xe: {  	s7 =	sadd.s32 s7, s8;
	s11 =	sshrl.u32 s11, $0x3;
	s8 =	sadd.s32 $0xE000, s10  }
0xf: {  	s9 =	sadd.s32 $0x1B000, s9;
	s10 =	smax.u32 s12, $0x1;
	s12 =	simm.s32 $0x2  }
.LBB2_1:
0x10: {  	[spmem:s11], [sflag:s6] =	dma.local [hbm:s5], $0x2800  }
0x11: {  	_ =	swait.ge [sflag:s12], $0x2800  }
0x12: {  	[sflag:s12] =	ssyncset.done $0x0  }
0x13: {  	[sflag:s12] =	ssyncadd.s32 $0xFFFFD800  }
0x14: {  	[tilespmem:s4], [sflag:$0x2] =	stream.linear.gather [hbm4b:s7+s4], $0x3280, $0x38;
	[tilespmem:$0x1E800] =	vst v63  }
0x15: {  	_ =	swait.ge [sflag:s12], $0x3280  }
0x16: {  	[sflag:s12] =	ssyncset.done $0x0  }
0x17: {  	s17 =	simm.s32 $0x3400;
	[sflag:s12] =	ssyncadd.s32 $0xFFFFCD80  }
0x18: {  	[tilespmem:s17], [sflag:$0x2] =	stream.linear.gather [hbm4b:s8+s4], $0x3280, $0x38;
	[tilespmem:$0x1E800] =	vst v63  }
0x19: {  	_ =	swait.ge [sflag:s12], $0x3280  }
0x1a: {  	[sflag:s12] =	ssyncset.done $0x0  }
0x1b: {  	[sflag:s12] =	ssyncadd.s32 $0xFFFFCD80  }
0x1c: {  	s18 =	simm.s32 $0x0;
	s19 =	simm.s32 $0x0;
	[bflag:$0x0] =	sbarrier.arrive $0xFFFF  }
.LBB2_2:
0x1d: {  	p1 =	sgt.u32 @!p0 s19, $0x37  }
0x1e: {  	p1 =	por p0, !p1  }
0x1f: {  	[tilespmem:s14], [sflag:$0x1] =	stream.indirect.gather @p1 [hbm4b:s1+s13], $0x80, s18, s13, $0xb8;
	[tilespmem:$0x1E800] =	vst v63  }
0x20: {  	_ =	swait.ge @p1 [sflag:s15], $0x4000  }
0x21: {  	[sflag:s15] =	ssyncset.done @p1 $0x0  }
0x22: {  	[sflag:s15] =	ssyncadd.s32 @p1 $0xFFFFC000  }
0x23: {  	[spmem:s3] =	stream.indirect.scatter.add.f32 @p1 [tilespmem:s14], [sflag:$0x2], $0x80, s17, s13, $0xb8;
	[tilespmem:$0x1E800] =	vst v63  }
0x24: {  	_ =	swait.ge @p1 [sflag:s12], $0x4000  }
0x25: {  	s19 =	sadd.s32 $0x1, s19;
	[sflag:s12] =	ssyncset.done @p1 $0x0  }
0x26: {  	[sflag:s12] =	ssyncadd.s32 @p1 $0xFFFFC000;
	p1 =	sne.s32 s19, $0x65  }
.Ltmp0:
0x27: {  	_ = 	snop;
	(pc) =	sbr.rel @p1 .LBB2_2-.Ltmp0, $2  }
0x28: {  	_ =	sdelay $0x2  }
0x29: {  	s18 =	sadd.s32 $0x80, s18;
	s17 =	sadd.s32 $0x80, s17  }
0x2a: {  	s16 =	sadd.s32 $0x1, s16  }
0x2b: {  	p1 =	sne.s32 s16, s10  }
.Ltmp1:
0x2c: {  	[bflag:$0x0] =	sbarrier.arrive $0xFFFF;
	(pc) =	sbr.rel @p1 .LBB2_1-.Ltmp1, $4  }
0x2d: {  	[hbm:s9], [sflag:s6] =	dma.local [spmem:s11], $0x2800  }
0x2e: {  	_ =	swait.ge [sflag:s12], $0x2800  }
0x2f: {  	[sflag:s12] =	ssyncset.done $0x0  }
0x30: {  	[sflag:s12] =	ssyncadd.s32 $0xFFFFD800  }
0x31: {  	_ =	sfence.sel $0x180000  }
0x32: {  	[bflag:$0x0] =	sbarrier.arrive $0xFFFF  }
0x33: {  	p0 =	sne.s32 s0, $0x0;
	_ =	strace $0x9000004A  }
0x34: {  	s0 =	sadd.s32 @!p0 $0x100000, s2;
	[bflag:$0x2] =	sbarrier.arrive $0xFFFF  }
0x35: {  	[sflag:s0] =	ssyncadd.tile.s32 @!p0 $0x1;
	_ =	shalt  }
.Lfunc_end2:
_tile_overlayer_lowered:
.L_overlay_start_2:
0x36: {  	(tag) =	ssettag $0x2  }
0x37: {  	s0 =	rddreg [dreg:$0x0];
	s2 =	stileid.u32  }
0x38: {  	s1 =	rddreg [dreg:$0x1];
	p0 =	sne.s32 s2, $0x0  }
0x39: {  	s3 =	rddreg [dreg:$0x2];
	[bflag:$0x3] =	sbarrier.arrive $0xFFFF;
	s2 =	simm.s32 @!p0 $0x1C02  }
0x3a: {  	[timem:s3], [sflag:s2] =	dma.local @!p0 [hbm:s0], s1  }
0x3b: {  	s0 =	simm.s32 @!p0 $0x2  }
0x3c: {  	_ =	swait.ge @!p0 [sflag:s0], s1  }
0x3d: {  	s1 =	ssub.s32 @!p0 $0x0, s1;
	[sflag:s0] =	ssyncset.done @!p0 $0x0  }
0x3e: {  	[sflag:s0] =	ssyncadd.s32 @!p0 s1  }
0x3f: {  	[bflag:$0x3] =	sbarrier.arrive $0xFFFF  }
0x40: {  	_ =	shalt  }

// kernel: kernel.14.cloned.1.call-start
scs
__scs_entry_jumppad:
0x0: {  	(pc) =	sbr.rel $0x88, $3  }
0x1: {  	(tag) =	ssettag $0x0;
	lr =	simm.s32 $0x1  }
0x2: {  	[smem:$0x3F96] =	sst lr;
	_ =	strace $0xD0000000  }
0x3: {  	_ = 	snop  }
0x4: {  	_ = 	snop  }
0x5: {  	_ = 	snop  }
0x6: {  	_ = 	snop  }
0x7: {  	_ = 	snop  }
__scs_overlays_trampoline_lowered:
0x8: {  	[smem:$0x3FA5] =	sst s0  }
0x9: {  	[smem:$0x3FA6] =	sst s1  }
0xa: {  	[smem:$0x3FA7] =	sst s2  }
0xb: {  	[smem:$0x3FA8] =	sst s3  }
0xc: {  	[smem:$0x3FA9] =	sst s4  }
0xd: {  	[smem:$0x3FAA] =	sst s5  }
0xe: {  	[smem:$0x3FAB] =	sst s6  }
0xf: {  	[smem:$0x3FAC] =	sst s7  }
0x10: {  	[smem:$0x3FAD] =	sst s8  }
0x11: {  	[smem:$0x3FAE] =	sst s9;
	s0 =	simm.s32 @!p0 $0x0  }
0x12: {  	s1 =	sld [smem:$0x3F94];
	s0 =	simm.s32 @p0 $0x1  }
0x13: {  	[smem:$0x3FAF] =	sst s0;
	s0 =	simm.s32 @!p1 $0x0  }
0x14: {  	s2 =	sld [smem:$0x3F93];
	s0 =	simm.s32 @p1 $0x1  }
0x15: {  	[smem:$0x3FB0] =	sst s0;
	s0 =	simm.s32 @!p2 $0x0  }
0x16: {  	s3 =	sld [smem:$0x3FDB];
	s0 =	simm.s32 @p2 $0x1  }
0x17: {  	s4 =	simm.s32 $0x1BF5;
	[smem:$0x3FB2] =	sst s0  }
0x18: {  	s0 =	sld [smem:$0x3F95];
	_ =	swait.ge [sflag:s4], $0x0  }
0x19: {  	s7 =	sld [smem:$0x3F96]  }
0x1a: {  	s8 =	sadd.s32 $0xFFFFE003, lr  }
0x1b: {  	s9 =	sadd.s32 $0xFFFFFEF7, lr;
	s5 =	simm.s32 $0xFFFFFFFF;
	p2 =	slt.u32 s8, $0xFFFFF086  }
0x1c: {  	p1 =	slt.u32 s9, $0xF7A;
	s5 =	simm.s32 @!p2 $0x0  }
0x1d: {  	s5 =	simm.s32 @p1 $0x1;
	p0 =	seq.s32 s7, s2  }
0x1e: {  	s7 =	smul.u32 @!p0 $0xF7A, s2;
	p2 =	seq.s32 @!p0 s5, $0x0  }
0x1f: {  	s9 =	smul.u32 $0xF7A, s1;
	s8 =	simm.s32 @!p0 $0x1BF5;
	p2 =	por !p2, p0  }
0x20: {  	[sflag:s8] =	ssyncset.s32 @!p0 $0xFFFFF086;
	s6 =	sadd.s32 @!p0 s3, s7;
	s7 =	simm.s32 @!p0 $0x108  }
0x21: {  	s3 =	sadd.s32 s3, s9;
	s6 =	sadd.s32 @!p0 $0x88, s6;
	s7 =	simm.s32 @p2 $0x1082  }
0x22: {  	[simem:s7], [sflag:s8] =	dma.local @!p0 [hbm:s6], $0xF7A  }
0x23: {  	s9 =	sor.u32 $0xD0000000, s2;
	s6 =	simm.s32 $0x108;
	_ =	swait.ge @!p0 [sflag:s8], $0x0  }
0x24: {  	s3 =	sadd.s32 $0x88, s3;
	s6 =	simm.s32 @!p1 $0x1082;
	[sflag:s4] =	ssyncset.s32 $0xFFFFF086  }
0x25: {  	[simem:s6], [sflag:s4] =	dma.local [hbm:s3], $0xF7A  }
0x26: {  	[smem:$0x3F96] =	sst s1;
	(tag) =	ssettag s2;
	_ =	strace s9  }
0x27: {  	s1 =	sld [smem:$0x3FA6]  }
0x28: {  	s2 =	sld [smem:$0x3FA7]  }
0x29: {  	s4 =	sld [smem:$0x3FA9]  }
0x2a: {  	p0 =	seq.s32 s5, $0x0;
	s5 =	sld [smem:$0x3FAA]  }
0x2b: {  	s6 =	sld [smem:$0x3FAB]  }
0x2c: {  	s7 =	sld [smem:$0x3FAC]  }
0x2d: {  	s3 =	simm.s32 $0x108;
	s8 =	sld [smem:$0x3FAD]  }
0x2e: {  	s3 =	simm.s32 @!p0 $0x1082;
	s9 =	sld [smem:$0x3FAE]  }
0x2f: {  	lr =	sadd.s32 s0, s3;
	s0 =	sld [smem:$0x3FA5]  }
0x30: {  	s3 =	sld [smem:$0x3FA8]  }
0x31: {  	[smem:$0x3FB1] =	sst s10  }
0x32: {  	s10 =	sld [smem:$0x3FAF];
	_ =	sdelay $0x3  }
0x33: {  	p0 =	seq.s32 s10, $0x1;
	s10 =	sld [smem:$0x3FB1];
	_ =	sdelay $0x3  }
0x34: {  	[smem:$0x3FB1] =	sst s10  }
0x35: {  	s10 =	sld [smem:$0x3FB0];
	_ =	sdelay $0x3  }
0x36: {  	p1 =	seq.s32 s10, $0x1;
	s10 =	sld [smem:$0x3FB1];
	_ =	sdelay $0x3  }
0x37: {  	[smem:$0x3FB1] =	sst s10  }
0x38: {  	s10 =	sld [smem:$0x3FB2]  }
0x39: {  	_ = 	snop;
	(pc) =	sbr.ind lr, $3  }
0x3a: {  	_ = 	snop  }
0x3b: {  	_ = 	snop  }
0x3c: {  	p2 =	seq.s32 s10, $0x1;
	s10 =	sld [smem:$0x3FB1]  }
0x3d: {  	_ =	shalt  }
0x3e: {  	_ =	shalt  }
0x3f: {  	_ =	shalt  }
0x40: {  	_ =	shalt  }
0x41: {  	_ =	shalt  }
0x42: {  	_ =	shalt  }
0x43: {  	_ =	shalt  }
0x44: {  	_ =	shalt  }
0x45: {  	_ =	shalt  }
0x46: {  	_ =	shalt  }
0x47: {  	_ =	shalt  }
0x48: {  	_ =	shalt  }
0x49: {  	_ =	shalt  }
0x4a: {  	_ =	shalt  }
0x4b: {  	_ =	shalt  }
0x4c: {  	_ =	shalt  }
0x4d: {  	_ =	shalt  }
0x4e: {  	_ =	shalt  }
0x4f: {  	_ =	shalt  }
0x50: {  	_ =	shalt  }
0x51: {  	_ =	shalt  }
0x52: {  	_ =	shalt  }
0x53: {  	_ =	shalt  }
0x54: {  	_ =	shalt  }
0x55: {  	_ =	shalt  }
0x56: {  	_ =	shalt  }
0x57: {  	_ =	shalt  }
0x58: {  	_ =	shalt  }
0x59: {  	_ =	shalt  }
0x5a: {  	_ =	shalt  }
0x5b: {  	_ =	shalt  }
0x5c: {  	_ =	shalt  }
0x5d: {  	_ =	shalt  }
0x5e: {  	_ =	shalt  }
0x5f: {  	_ =	shalt  }
0x60: {  	_ =	shalt  }
0x61: {  	_ =	shalt  }
0x62: {  	_ =	shalt  }
0x63: {  	_ =	shalt  }
0x64: {  	_ =	shalt  }
0x65: {  	_ =	shalt  }
0x66: {  	_ =	shalt  }
0x67: {  	_ =	shalt  }
0x68: {  	_ =	shalt  }
0x69: {  	_ =	shalt  }
0x6a: {  	_ =	shalt  }
0x6b: {  	_ =	shalt  }
0x6c: {  	_ =	shalt  }
0x6d: {  	_ =	shalt  }
0x6e: {  	_ =	shalt  }
0x6f: {  	_ =	shalt  }
0x70: {  	_ =	shalt  }
0x71: {  	_ =	shalt  }
0x72: {  	_ =	shalt  }
0x73: {  	_ =	shalt  }
0x74: {  	_ =	shalt  }
0x75: {  	_ =	shalt  }
0x76: {  	_ =	shalt  }
0x77: {  	_ =	shalt  }
0x78: {  	_ =	shalt  }
0x79: {  	_ =	shalt  }
0x7a: {  	_ =	shalt  }
0x7b: {  	_ =	shalt  }
0x7c: {  	_ =	shalt  }
0x7d: {  	_ =	shalt  }
0x7e: {  	_ =	shalt  }
0x7f: {  	_ =	shalt  }
0x80: {  	_ =	shalt  }
0x81: {  	_ =	shalt  }
0x82: {  	_ =	shalt  }
0x83: {  	_ =	shalt  }
0x84: {  	_ =	shalt  }
0x85: {  	_ =	shalt  }
0x86: {  	_ =	shalt  }
0x87: {  	_ =	shalt  }
.Lfunc_end0:
.L_simem_size_0:
called_computation.2_lowered:
.L_overlay_start_0:
0x88: {  	s2 =	sld [smem:$0x3FD9]  }
0x89: {  	s3 =	sld [smem:$0x3FFE];
	_ =	sdelay $0x1  }
0x8a: {  	s1 =	srdreg.scid  }
0x8b: {  	s0 =	sand.u32 $0x1, s1  }
0x8c: {  	s14 =	sshll.u32 s0, $0xA;
	s2 =	sadd.s32 s3, s2  }
0x8d: {  	s2 =	sadd.s32 s2, s14  }
0x8e: {  	[smem:$0x3FBD] =	sst s2  }
0x8f: {  	_ = 	snop  }
0x90: {  	s2 =	sld [smem:$0x3FD0];
	_ =	sdelay $0x2  }
0x91: {  	s15 =	simm.s32 $0xA;
	s4 =	simm.s32 $0x10  }
0x92: {  	[smem:s4], [sflag:s15] =	dma.local [hbm:s2], $0x1  }
0x93: {  	_ =	swait.eq [sflag:s15], $0x1  }
0x94: {  	[sflag:s15] =	ssyncset.done $0x0  }
0x95: {  	s16 =	sld [smem:$0x10];
	[sflag:s15] =	ssyncadd.s32 $0xFFFFFFFF  }
0x96: {  	s17 =	sld [smem:$0x11];
	(tm) =	ssettm $0x1  }
0x97: {  	s18 =	sld [smem:$0x3FFB];
	_ =	sdelay $0x3  }
0x98: {  	_ =	strace s18  }
0x99: {  	s4 =	sld [smem:$0x3FFC];
	_ =	sdelay $0x3  }
0x9a: {  	_ =	strace s4  }
0x9b: {  	s4 =	sld [smem:$0x3FFD];
	_ =	sdelay $0x3  }
0x9c: {  	_ =	strace s4  }
0x9d: {  	_ =	strace $0x8FFFFFFF  }
0x9e: {  	s19 =	sld [smem:$0x3FDB];
	_ =	sdelay $0x1  }
0x9f: {  	s5 =	simm.s32 $_scs_section_size  }
0xa0: {  	s6 =	simm.s32 $_size__tile_overlayer_lowered;
	s7 =	simm.s32 $_tile_overlayer_lowered  }
0xa1: {  	s22 =	simm.s32 $0x1BFF;
	s21 =	sshll.u32 s7, $0x1;
	s4 =	sadd.s32 s5, s19  }
0xa2: {  	s8 =	simm.s32 $0x0;
	s20 =	sshll.u32 s6, $0x1;
	s6 =	sadd.s32 s21, s4  }
0xa3: {  	[timem:s8], [sflag:s22] =	dma.local [hbm:s6], s20  }
0xa4: {  	_ =	swait.ge [sflag:s22], s20  }
0xa5: {  	s5 =	ssub.s32 $0x0, s20;
	[sflag:s22] =	ssyncset.done $0x0  }
0xa6: {  	[sflag:s22] =	ssyncadd.s32 s5;
	_ =	sdelay $0x1  }
0xa7: {  	s23 =	simm.s32 $0x1B8B  }
0xa8: {  	_ =	swait.ge [sflag:s23], $0x1  }
0xa9: {  	[sflag:s23] =	ssyncset.done $0x0  }
0xaa: {  	s25 =	simm.s32 $0x1B8E;
	s24 =	sld [smem:$0x3FFE];
	[sflag:s23] =	ssyncadd.s32 $0xFFFFFFFF  }
0xab: {  	s26 =	simm.s32 $execute0_lowered;
	[smem:$0x3FD2] =	sst s25  }
0xac: {  	s6 =	sshll.u32 s26, $0x1;
	_ =	strace $0x8000004C;
	[dreg:$0x1] =	wrdreg $0xFFFFFFFF  }
0xad: {  	s28 =	simm.s32 $_size_execute0_lowered;
	s4 =	sadd.s32 s4, s6;
	[dreg:$0x0] =	wrdreg $0x0  }
0xae: {  	s6 =	sshll.u32 s28, $0x1;
	[dreg:$0x2] =	wrdreg s4  }
0xaf: {  	[dreg:$0x3] =	wrdreg s6  }
0xb0: {  	[dreg:$0x4] =	wrdreg $0xC0  }
0xb1: {  	_ =	task [dreg:s8], $0x5FFFF  }
0xb2: {  	[dreg:$0x1] =	wrdreg $0xFFFFFFFF  }
0xb3: {  	[dreg:$0x0] =	wrdreg $0x60  }
0xb4: {  	[dreg:$0x2] =	wrdreg s17  }
0xb5: {  	[dreg:$0x3] =	wrdreg s16  }
0xb6: {  	[dreg:$0x4] =	wrdreg s24  }
0xb7: {  	[dreg:$0x5] =	wrdreg $0xA8000  }
0xb8: {  	[dreg:$0x6] =	wrdreg $0x9  }
0xb9: {  	_ =	task.clear_ibuf [dreg:s8], $0x7FFFF;
	_ =	strace $0x9000004C  }
0xba: {  	s29 =	simm.s32 $0x9;
	_ =	strace $0x8000004E  }
0xbb: {  	_ =	swait.ge [sflag:s29], $0x1  }
0xbc: {  	[sflag:s29] =	ssyncadd.s32 $0xFFFFFFFF  }
0xbd: {  	_ =	strace $0x9000004E  }
0xbe: {  	_ =	sfence  }
0xbf: {  	s30 =	sld [smem:$0x0];
	_ =	sdelay $0x2  }
0xc0: {  	s31 =	sshll.u32 s1, $0xD;
	s1 =	sshrl.u32 s1, $0x2  }
0xc1: {  	s3 =	sand.u32 $0x4000, s31;
	s1 =	sadd.s32 s1, s30  }
0xc2: {  	s0 =	sor.u32 s3, s0;
	s1 =	sshll.u32 s1, $0x11  }
0xc3: {  	s0 =	sor.u32 s1, s0  }
0xc4: {  	s0 =	sadd.s32 $0x8F2B, s0  }
0xc5: {  	[sflag:s0] =	ssyncadd.remote.s32 $0x1  }
0xc6: {  	_ =	sfence.sel $0xFFFF  }
0xc7: {  	[dreg:$0x0] =	wrdreg $0xFFFFFFFF;
	(pc) =	sbr.abs _section_cstart, $3  }
0xc8: {  	[dreg:$0x1] =	wrdreg $0xFFFFFFFF  }
0xc9: {  	_ =	task.clear_ibuf [dreg:s8], $0x2FFFF;
	_ =	strace $0x9FFFFFFF  }
0xca: {  	(tm) =	ssettm $0x7FFFFFFF  }
0xcb: {  	_ =	shalt  }
tec
execute0_lowered:
.L_overlay_start_1:
0x0: {  	(tag) =	ssettag $0x1  }
0x1: {  	s1 =	rddreg [dreg:$0x0]  }
0x2: {  	s7 =	rddreg [dreg:$0x1]  }
0x3: {  	s0 =	srdreg.scid;
	s6 =	rddreg [dreg:$0x2]  }
0x4: {  	s3 =	rddreg [dreg:$0x3];
	s4 =	simm.s32 $0x0;
	s13 =	sand.u32 $0x1, s0  }
0x5: {  	s14 =	simm.s32 $0x6800;
	s0 =	stileid.u32;
	s5 =	smul.u32 $0x140000, s13  }
0x6: {  	s15 =	simm.s32 $0x1;
	s16 =	simm.s32 $0x0;
	s9 =	smul.u32 $0x14000, s0  }
0x7: {  	[smem:$0x7FF] =	sst s4;
	s2 =	sshll.u32 s13, $0x4;
	s11 =	smul.u32 $0x50000, s0  }
0x8: {  	s12 =	ssub.s32 $0x2, s13;
	s31 =	sshll.u32 s0, $0x6;
	p0 =	seq.s32 s13, $0x0  }
0x9: {  	s13 =	simm.s32 $0x80;
	s2 =	sor.u32 s0, s2;
	s30 =	sshrl.u32 s12, $0x1  }
0xa: {  	s8 =	smul.u32 $0x680, s2;
	s2 =	rddreg [dreg:$0x4];
	_ =	strace $0x8000004D  }
0xb: {  	s9 =	sadd.s32 s9, s5;
	s5 =	sadd.s32 $0x2600, s6;
	s11 =	sshrl.u32 s11, $0x2  }
0xc: {  	s12 =	ssub.s32 s12, s30;
	s9 =	sshrl.u32 s9, $0x3;
	s11 =	sadd.s32 s11, s3  }
0xd: {  	s10 =	sadd.s32 s8, s6;
	s9 =	sadd.s32 s9, s6;
	s6 =	sor.u32 $0x1C02, s31  }
0xe: {  	s7 =	sadd.s32 s7, s8;
	s11 =	sshrl.u32 s11, $0x3;
	s8 =	sadd.s32 $0xE000, s10  }
0xf: {  	s9 =	sadd.s32 $0x1B000, s9;
	s10 =	smax.u32 s12, $0x1;
	s12 =	simm.s32 $0x2  }
.LBB2_1:
0x10: {  	[spmem:s11], [sflag:s6] =	dma.local [hbm:s5], $0x2800  }
0x11: {  	_ =	swait.ge [sflag:s12], $0x2800  }
0x12: {  	[sflag:s12] =	ssyncset.done $0x0  }
0x13: {  	[sflag:s12] =	ssyncadd.s32 $0xFFFFD800  }
0x14: {  	[tilespmem:s4], [sflag:$0x2] =	stream.linear.gather [hbm4b:s7+s4], $0x3280, $0x38;
	[tilespmem:$0x1E800] =	vst v63  }
0x15: {  	_ =	swait.ge [sflag:s12], $0x3280  }
0x16: {  	[sflag:s12] =	ssyncset.done $0x0  }
0x17: {  	s17 =	simm.s32 $0x3400;
	[sflag:s12] =	ssyncadd.s32 $0xFFFFCD80  }
0x18: {  	[tilespmem:s17], [sflag:$0x2] =	stream.linear.gather [hbm4b:s8+s4], $0x3280, $0x38;
	[tilespmem:$0x1E800] =	vst v63  }
0x19: {  	_ =	swait.ge [sflag:s12], $0x3280  }
0x1a: {  	[sflag:s12] =	ssyncset.done $0x0  }
0x1b: {  	[sflag:s12] =	ssyncadd.s32 $0xFFFFCD80  }
0x1c: {  	s18 =	simm.s32 $0x0;
	s19 =	simm.s32 $0x0;
	[bflag:$0x0] =	sbarrier.arrive $0xFFFF  }
.LBB2_2:
0x1d: {  	p1 =	sgt.u32 @!p0 s19, $0x37  }
0x1e: {  	p1 =	por p0, !p1  }
0x1f: {  	[tilespmem:s14], [sflag:$0x1] =	stream.indirect.gather @p1 [hbm4b:s1+s13], $0x80, s18, s13, $0xb8;
	[tilespmem:$0x1E800] =	vst v63  }
0x20: {  	_ =	swait.ge @p1 [sflag:s15], $0x4000  }
0x21: {  	[sflag:s15] =	ssyncset.done @p1 $0x0  }
0x22: {  	[sflag:s15] =	ssyncadd.s32 @p1 $0xFFFFC000  }
0x23: {  	[spmem:s3] =	stream.indirect.scatter.add.f32 @p1 [tilespmem:s14], [sflag:$0x2], $0x80, s17, s13, $0xb8;
	[tilespmem:$0x1E800] =	vst v63  }
0x24: {  	_ =	swait.ge @p1 [sflag:s12], $0x4000  }
0x25: {  	s19 =	sadd.s32 $0x1, s19;
	[sflag:s12] =	ssyncset.done @p1 $0x0  }
0x26: {  	[sflag:s12] =	ssyncadd.s32 @p1 $0xFFFFC000;
	p1 =	sne.s32 s19, $0x65  }
.Ltmp0:
0x27: {  	_ = 	snop;
	(pc) =	sbr.rel @p1 .LBB2_2-.Ltmp0, $2  }
0x28: {  	_ =	sdelay $0x2  }
0x29: {  	s18 =	sadd.s32 $0x80, s18;
	s17 =	sadd.s32 $0x80, s17  }
0x2a: {  	s16 =	sadd.s32 $0x1, s16  }
0x2b: {  	p1 =	sne.s32 s16, s10  }
.Ltmp1:
0x2c: {  	[bflag:$0x0] =	sbarrier.arrive $0xFFFF;
	(pc) =	sbr.rel @p1 .LBB2_1-.Ltmp1, $4  }
0x2d: {  	[hbm:s9], [sflag:s6] =	dma.local [spmem:s11], $0x2800  }
0x2e: {  	_ =	swait.ge [sflag:s12], $0x2800  }
0x2f: {  	[sflag:s12] =	ssyncset.done $0x0  }
0x30: {  	[sflag:s12] =	ssyncadd.s32 $0xFFFFD800  }
0x31: {  	_ =	sfence.sel $0x180000  }
0x32: {  	[bflag:$0x0] =	sbarrier.arrive $0xFFFF  }
0x33: {  	p0 =	sne.s32 s0, $0x0;
	_ =	strace $0x9000004D  }
0x34: {  	s0 =	sadd.s32 @!p0 $0x100000, s2;
	[bflag:$0x2] =	sbarrier.arrive $0xFFFF  }
0x35: {  	[sflag:s0] =	ssyncadd.tile.s32 @!p0 $0x1;
	_ =	shalt  }
.Lfunc_end2:
_tile_overlayer_lowered:
.L_overlay_start_2:
0x36: {  	(tag) =	ssettag $0x2  }
0x37: {  	s0 =	rddreg [dreg:$0x0];
	s2 =	stileid.u32  }
0x38: {  	s1 =	rddreg [dreg:$0x1];
	p0 =	sne.s32 s2, $0x0  }
0x39: {  	s3 =	rddreg [dreg:$0x2];
	[bflag:$0x3] =	sbarrier.arrive $0xFFFF;
	s2 =	simm.s32 @!p0 $0x1C02  }
0x3a: {  	[timem:s3], [sflag:s2] =	dma.local @!p0 [hbm:s0], s1  }
0x3b: {  	s0 =	simm.s32 @!p0 $0x2  }
0x3c: {  	_ =	swait.ge @!p0 [sflag:s0], s1  }
0x3d: {  	s1 =	ssub.s32 @!p0 $0x0, s1;
	[sflag:s0] =	ssyncset.done @!p0 $0x0  }
0x3e: {  	[sflag:s0] =	ssyncadd.s32 @!p0 s1  }
0x3f: {  	[bflag:$0x3] =	sbarrier.arrive $0xFFFF  }
0x40: {  	_ =	shalt  }

// kernel: kernel.8.cloned.1.call-start
scs
__scs_entry_jumppad:
0x0: {  	(pc) =	sbr.rel $0x88, $3  }
0x1: {  	(tag) =	ssettag $0x0;
	lr =	simm.s32 $0x1  }
0x2: {  	[smem:$0x3F96] =	sst lr;
	_ =	strace $0xD0000000  }
0x3: {  	_ = 	snop  }
0x4: {  	_ = 	snop  }
0x5: {  	_ = 	snop  }
0x6: {  	_ = 	snop  }
0x7: {  	_ = 	snop  }
__scs_overlays_trampoline_lowered:
0x8: {  	[smem:$0x3FA5] =	sst s0  }
0x9: {  	[smem:$0x3FA6] =	sst s1  }
0xa: {  	[smem:$0x3FA7] =	sst s2  }
0xb: {  	[smem:$0x3FA8] =	sst s3  }
0xc: {  	[smem:$0x3FA9] =	sst s4  }
0xd: {  	[smem:$0x3FAA] =	sst s5  }
0xe: {  	[smem:$0x3FAB] =	sst s6  }
0xf: {  	[smem:$0x3FAC] =	sst s7  }
0x10: {  	[smem:$0x3FAD] =	sst s8  }
0x11: {  	[smem:$0x3FAE] =	sst s9;
	s0 =	simm.s32 @!p0 $0x0  }
0x12: {  	s1 =	sld [smem:$0x3F94];
	s0 =	simm.s32 @p0 $0x1  }
0x13: {  	[smem:$0x3FAF] =	sst s0;
	s0 =	simm.s32 @!p1 $0x0  }
0x14: {  	s2 =	sld [smem:$0x3F93];
	s0 =	simm.s32 @p1 $0x1  }
0x15: {  	[smem:$0x3FB0] =	sst s0;
	s0 =	simm.s32 @!p2 $0x0  }
0x16: {  	s3 =	sld [smem:$0x3FDB];
	s0 =	simm.s32 @p2 $0x1  }
0x17: {  	s4 =	simm.s32 $0x1BF5;
	[smem:$0x3FB2] =	sst s0  }
0x18: {  	s0 =	sld [smem:$0x3F95];
	_ =	swait.ge [sflag:s4], $0x0  }
0x19: {  	s7 =	sld [smem:$0x3F96]  }
0x1a: {  	s8 =	sadd.s32 $0xFFFFE003, lr  }
0x1b: {  	s9 =	sadd.s32 $0xFFFFFEF7, lr;
	s5 =	simm.s32 $0xFFFFFFFF;
	p2 =	slt.u32 s8, $0xFFFFF086  }
0x1c: {  	p1 =	slt.u32 s9, $0xF7A;
	s5 =	simm.s32 @!p2 $0x0  }
0x1d: {  	s5 =	simm.s32 @p1 $0x1;
	p0 =	seq.s32 s7, s2  }
0x1e: {  	s7 =	smul.u32 @!p0 $0xF7A, s2;
	p2 =	seq.s32 @!p0 s5, $0x0  }
0x1f: {  	s9 =	smul.u32 $0xF7A, s1;
	s8 =	simm.s32 @!p0 $0x1BF5;
	p2 =	por !p2, p0  }
0x20: {  	[sflag:s8] =	ssyncset.s32 @!p0 $0xFFFFF086;
	s6 =	sadd.s32 @!p0 s3, s7;
	s7 =	simm.s32 @!p0 $0x108  }
0x21: {  	s3 =	sadd.s32 s3, s9;
	s6 =	sadd.s32 @!p0 $0x88, s6;
	s7 =	simm.s32 @p2 $0x1082  }
0x22: {  	[simem:s7], [sflag:s8] =	dma.local @!p0 [hbm:s6], $0xF7A  }
0x23: {  	s9 =	sor.u32 $0xD0000000, s2;
	s6 =	simm.s32 $0x108;
	_ =	swait.ge @!p0 [sflag:s8], $0x0  }
0x24: {  	s3 =	sadd.s32 $0x88, s3;
	s6 =	simm.s32 @!p1 $0x1082;
	[sflag:s4] =	ssyncset.s32 $0xFFFFF086  }
0x25: {  	[simem:s6], [sflag:s4] =	dma.local [hbm:s3], $0xF7A  }
0x26: {  	[smem:$0x3F96] =	sst s1;
	(tag) =	ssettag s2;
	_ =	strace s9  }
0x27: {  	s1 =	sld [smem:$0x3FA6]  }
0x28: {  	s2 =	sld [smem:$0x3FA7]  }
0x29: {  	s4 =	sld [smem:$0x3FA9]  }
0x2a: {  	p0 =	seq.s32 s5, $0x0;
	s5 =	sld [smem:$0x3FAA]  }
0x2b: {  	s6 =	sld [smem:$0x3FAB]  }
0x2c: {  	s7 =	sld [smem:$0x3FAC]  }
0x2d: {  	s3 =	simm.s32 $0x108;
	s8 =	sld [smem:$0x3FAD]  }
0x2e: {  	s3 =	simm.s32 @!p0 $0x1082;
	s9 =	sld [smem:$0x3FAE]  }
0x2f: {  	lr =	sadd.s32 s0, s3;
	s0 =	sld [smem:$0x3FA5]  }
0x30: {  	s3 =	sld [smem:$0x3FA8]  }
0x31: {  	[smem:$0x3FB1] =	sst s10  }
0x32: {  	s10 =	sld [smem:$0x3FAF];
	_ =	sdelay $0x3  }
0x33: {  	p0 =	seq.s32 s10, $0x1;
	s10 =	sld [smem:$0x3FB1];
	_ =	sdelay $0x3  }
0x34: {  	[smem:$0x3FB1] =	sst s10  }
0x35: {  	s10 =	sld [smem:$0x3FB0];
	_ =	sdelay $0x3  }
0x36: {  	p1 =	seq.s32 s10, $0x1;
	s10 =	sld [smem:$0x3FB1];
	_ =	sdelay $0x3  }
0x37: {  	[smem:$0x3FB1] =	sst s10  }
0x38: {  	s10 =	sld [smem:$0x3FB2]  }
0x39: {  	_ = 	snop;
	(pc) =	sbr.ind lr, $3  }
0x3a: {  	_ = 	snop  }
0x3b: {  	_ = 	snop  }
0x3c: {  	p2 =	seq.s32 s10, $0x1;
	s10 =	sld [smem:$0x3FB1]  }
0x3d: {  	_ =	shalt  }
0x3e: {  	_ =	shalt  }
0x3f: {  	_ =	shalt  }
0x40: {  	_ =	shalt  }
0x41: {  	_ =	shalt  }
0x42: {  	_ =	shalt  }
0x43: {  	_ =	shalt  }
0x44: {  	_ =	shalt  }
0x45: {  	_ =	shalt  }
0x46: {  	_ =	shalt  }
0x47: {  	_ =	shalt  }
0x48: {  	_ =	shalt  }
0x49: {  	_ =	shalt  }
0x4a: {  	_ =	shalt  }
0x4b: {  	_ =	shalt  }
0x4c: {  	_ =	shalt  }
0x4d: {  	_ =	shalt  }
0x4e: {  	_ =	shalt  }
0x4f: {  	_ =	shalt  }
0x50: {  	_ =	shalt  }
0x51: {  	_ =	shalt  }
0x52: {  	_ =	shalt  }
0x53: {  	_ =	shalt  }
0x54: {  	_ =	shalt  }
0x55: {  	_ =	shalt  }
0x56: {  	_ =	shalt  }
0x57: {  	_ =	shalt  }
0x58: {  	_ =	shalt  }
0x59: {  	_ =	shalt  }
0x5a: {  	_ =	shalt  }
0x5b: {  	_ =	shalt  }
0x5c: {  	_ =	shalt  }
0x5d: {  	_ =	shalt  }
0x5e: {  	_ =	shalt  }
0x5f: {  	_ =	shalt  }
0x60: {  	_ =	shalt  }
0x61: {  	_ =	shalt  }
0x62: {  	_ =	shalt  }
0x63: {  	_ =	shalt  }
0x64: {  	_ =	shalt  }
0x65: {  	_ =	shalt  }
0x66: {  	_ =	shalt  }
0x67: {  	_ =	shalt  }
0x68: {  	_ =	shalt  }
0x69: {  	_ =	shalt  }
0x6a: {  	_ =	shalt  }
0x6b: {  	_ =	shalt  }
0x6c: {  	_ =	shalt  }
0x6d: {  	_ =	shalt  }
0x6e: {  	_ =	shalt  }
0x6f: {  	_ =	shalt  }
0x70: {  	_ =	shalt  }
0x71: {  	_ =	shalt  }
0x72: {  	_ =	shalt  }
0x73: {  	_ =	shalt  }
0x74: {  	_ =	shalt  }
0x75: {  	_ =	shalt  }
0x76: {  	_ =	shalt  }
0x77: {  	_ =	shalt  }
0x78: {  	_ =	shalt  }
0x79: {  	_ =	shalt  }
0x7a: {  	_ =	shalt  }
0x7b: {  	_ =	shalt  }
0x7c: {  	_ =	shalt  }
0x7d: {  	_ =	shalt  }
0x7e: {  	_ =	shalt  }
0x7f: {  	_ =	shalt  }
0x80: {  	_ =	shalt  }
0x81: {  	_ =	shalt  }
0x82: {  	_ =	shalt  }
0x83: {  	_ =	shalt  }
0x84: {  	_ =	shalt  }
0x85: {  	_ =	shalt  }
0x86: {  	_ =	shalt  }
0x87: {  	_ =	shalt  }
.Lfunc_end0:
.L_simem_size_0:
called_computation_lowered:
.L_overlay_start_0:
0x88: {  	s2 =	sld [smem:$0x3FD9]  }
0x89: {  	s3 =	sld [smem:$0x3FFE];
	_ =	sdelay $0x1  }
0x8a: {  	s1 =	srdreg.scid  }
0x8b: {  	s0 =	sand.u32 $0x1, s1  }
0x8c: {  	s14 =	sshll.u32 s0, $0xA;
	s2 =	sadd.s32 s3, s2  }
0x8d: {  	s2 =	sadd.s32 s2, s14  }
0x8e: {  	[smem:$0x3FBD] =	sst s2  }
0x8f: {  	_ = 	snop  }
0x90: {  	s2 =	sld [smem:$0x3FD0];
	_ =	sdelay $0x2  }
0x91: {  	s15 =	simm.s32 $0xA;
	s4 =	simm.s32 $0x10  }
0x92: {  	[smem:s4], [sflag:s15] =	dma.local [hbm:s2], $0x1  }
0x93: {  	_ =	swait.eq [sflag:s15], $0x1  }
0x94: {  	[sflag:s15] =	ssyncset.done $0x0  }
0x95: {  	[sflag:s15] =	ssyncadd.s32 $0xFFFFFFFF  }
0x96: {  	s16 =	sld [smem:$0x11];
	(tm) =	ssettm $0x1  }
0x97: {  	s17 =	sld [smem:$0x3FFB];
	_ =	sdelay $0x3  }
0x98: {  	_ =	strace s17  }
0x99: {  	s3 =	sld [smem:$0x3FFC];
	_ =	sdelay $0x3  }
0x9a: {  	_ =	strace s3  }
0x9b: {  	s3 =	sld [smem:$0x3FFD];
	_ =	sdelay $0x3  }
0x9c: {  	_ =	strace s3  }
0x9d: {  	_ =	strace $0x8FFFFFFF  }
0x9e: {  	s18 =	sld [smem:$0x3FDB];
	_ =	sdelay $0x1  }
0x9f: {  	s19 =	simm.s32 $_scs_section_size  }
0xa0: {  	s5 =	simm.s32 $_size__tile_overlayer_lowered;
	s6 =	simm.s32 $_tile_overlayer_lowered  }
0xa1: {  	s22 =	simm.s32 $0x1BFF;
	s21 =	sshll.u32 s6, $0x1;
	s3 =	sadd.s32 s19, s18  }
0xa2: {  	s7 =	simm.s32 $0x0;
	s20 =	sshll.u32 s5, $0x1;
	s5 =	sadd.s32 s21, s3  }
0xa3: {  	[timem:s7], [sflag:s22] =	dma.local [hbm:s5], s20  }
0xa4: {  	_ =	swait.ge [sflag:s22], s20  }
0xa5: {  	s4 =	ssub.s32 $0x0, s20;
	[sflag:s22] =	ssyncset.done $0x0  }
0xa6: {  	[sflag:s22] =	ssyncadd.s32 s4;
	_ =	sdelay $0x1  }
0xa7: {  	s23 =	simm.s32 $0x1B8B  }
0xa8: {  	_ =	swait.ge [sflag:s23], $0x1  }
0xa9: {  	[sflag:s23] =	ssyncset.done $0x0  }
0xaa: {  	s25 =	simm.s32 $0x1B8E;
	s24 =	sld [smem:$0x3FFE];
	[sflag:s23] =	ssyncadd.s32 $0xFFFFFFFF  }
0xab: {  	s26 =	simm.s32 $execute0_lowered;
	[smem:$0x3FD2] =	sst s25  }
0xac: {  	s5 =	sshll.u32 s26, $0x1;
	_ =	strace $0x80000046;
	[dreg:$0x1] =	wrdreg $0xFFFFFFFF  }
0xad: {  	s28 =	simm.s32 $_size_execute0_lowered;
	s3 =	sadd.s32 s3, s5;
	[dreg:$0x0] =	wrdreg $0x0  }
0xae: {  	s5 =	sshll.u32 s28, $0x1;
	[dreg:$0x2] =	wrdreg s3  }
0xaf: {  	[dreg:$0x3] =	wrdreg s5  }
0xb0: {  	[dreg:$0x4] =	wrdreg $0xC0  }
0xb1: {  	_ =	task [dreg:s7], $0x5FFFF  }
0xb2: {  	[dreg:$0x1] =	wrdreg $0xFFFFFFFF  }
0xb3: {  	[dreg:$0x0] =	wrdreg $0x60  }
0xb4: {  	[dreg:$0x2] =	wrdreg s24  }
0xb5: {  	[dreg:$0x3] =	wrdreg s16  }
0xb6: {  	[dreg:$0x4] =	wrdreg $0x90000  }
0xb7: {  	[dreg:$0x5] =	wrdreg $0x9  }
0xb8: {  	_ =	task.clear_ibuf [dreg:s7], $0x6FFFF;
	_ =	strace $0x90000046  }
0xb9: {  	s29 =	simm.s32 $0x9;
	_ =	strace $0x80000048  }
0xba: {  	_ =	swait.ge [sflag:s29], $0x1  }
0xbb: {  	[sflag:s29] =	ssyncadd.s32 $0xFFFFFFFF  }
0xbc: {  	_ =	strace $0x90000048  }
0xbd: {  	_ =	sfence  }
0xbe: {  	s30 =	sld [smem:$0x0];
	_ =	sdelay $0x2  }
0xbf: {  	s31 =	sshll.u32 s1, $0xD;
	s1 =	sshrl.u32 s1, $0x2  }
0xc0: {  	s3 =	sand.u32 $0x4000, s31;
	s1 =	sadd.s32 s1, s30  }
0xc1: {  	s0 =	sor.u32 s3, s0;
	s1 =	sshll.u32 s1, $0x11  }
0xc2: {  	s0 =	sor.u32 s1, s0  }
0xc3: {  	s0 =	sadd.s32 $0x8F2B, s0  }
0xc4: {  	[sflag:s0] =	ssyncadd.remote.s32 $0x1  }
0xc5: {  	_ =	sfence.sel $0xFFFF  }
0xc6: {  	[dreg:$0x0] =	wrdreg $0xFFFFFFFF;
	(pc) =	sbr.abs _section_cstart, $3  }
0xc7: {  	[dreg:$0x1] =	wrdreg $0xFFFFFFFF  }
0xc8: {  	_ =	task.clear_ibuf [dreg:s7], $0x2FFFF;
	_ =	strace $0x9FFFFFFF  }
0xc9: {  	(tm) =	ssettm $0x7FFFFFFF  }
tec
execute0_lowered:
.L_overlay_start_1:
0x0: {  	(tag) =	ssettag $0x1  }
0x1: {  	s6 =	rddreg [dreg:$0x0]  }
0x2: {  	s0 =	srdreg.scid;
	s8 =	rddreg [dreg:$0x1]  }
0x3: {  	s2 =	rddreg [dreg:$0x2];
	s1 =	stileid.u32  }
0x4: {  	s3 =	simm.s32 $0x0;
	s15 =	simm.s32 $0x5000;
	s16 =	simm.s32 $0x1  }
0x5: {  	s17 =	simm.s32 $0x0;
	s7 =	sand.u32 $0x1, s0;
	s0 =	rddreg [dreg:$0x3]  }
0x6: {  	[smem:$0x7FF] =	sst s3;
	s11 =	sshll.u32 s1, $0x7;
	s5 =	sadd.s32 $0xCE00, s6  }
0x7: {  	s29 =	sshll.u32 s1, $0xA;
	s13 =	sshll.u32 s1, $0x6;
	s4 =	sshll.u32 s7, $0x4  }
0x8: {  	_ =	strace $0x80000047;
	s12 =	ssub.s32 $0x2, s7;
	s11 =	sadd.s32 s11, s6  }
0x9: {  	s14 =	sadd.s32 s29, s2;
	s30 =	sshll.u32 s7, $0xB;
	s4 =	sor.u32 s1, s4  }
0xa: {  	s28 =	sshrl.u32 s12, $0x1;
	s31 =	sadd.s32 s30, s11;
	s9 =	smul.u32 $0x500, s4  }
0xb: {  	s11 =	sshrl.u32 s14, $0x3;
	s14 =	simm.s32 $0x80;
	s4 =	sadd.s32 $0x2600, s6  }
0xc: {  	s12 =	ssub.s32 s12, s28;
	s10 =	sadd.s32 s9, s6;
	s6 =	sor.u32 $0x1C02, s13  }
0xd: {  	s8 =	sadd.s32 s8, s9;
	s9 =	sadd.s32 $0xD000, s31;
	s13 =	simm.s32 $0x2800  }
0xe: {  	s7 =	sadd.s32 $0x2E00, s10;
	s10 =	smax.u32 s12, $0x1;
	s12 =	simm.s32 $0x2  }
.LBB2_1:
0xf: {  	[spmem:s11], [sflag:s6] =	dma.local [hbm:s5], $0x80  }
0x10: {  	_ =	swait.ge [sflag:s12], $0x80  }
0x11: {  	[sflag:s12] =	ssyncset.done $0x0  }
0x12: {  	[sflag:s12] =	ssyncadd.s32 $0xFFFFFF80  }
0x13: {  	[tilespmem:s3], [sflag:$0x2] =	stream.linear.gather [hbm4b:s7+s3], $0x2780, $0x38;
	[tilespmem:$0x9400] =	vst v63  }
0x14: {  	_ =	swait.ge [sflag:s12], $0x2780  }
0x15: {  	[sflag:s12] =	ssyncset.done $0x0  }
0x16: {  	[sflag:s12] =	ssyncadd.s32 $0xFFFFD880  }
0x17: {  	[tilespmem:s13], [sflag:$0x2] =	stream.linear.gather [hbm4b:s8+s3], $0x2780, $0x38;
	[tilespmem:$0x9400] =	vst v63  }
0x18: {  	_ =	swait.ge [sflag:s12], $0x2780  }
0x19: {  	[sflag:s12] =	ssyncset.done $0x0  }
0x1a: {  	[sflag:s12] =	ssyncadd.s32 $0xFFFFD880  }
0x1b: {  	s18 =	simm.s32 $0x0;
	[bflag:$0x0] =	sbarrier.arrive $0xFFFF  }
0x1c: {  	[tilespmem:s15], [sflag:$0x1] =	stream.indirect.gather [hbm4b:s4+s14], $0x80, s18, s14, $0xb8;
	[tilespmem:$0x9400] =	vst v63  }
0x1d: {  	_ =	swait.ge [sflag:s16], $0x4000  }
0x1e: {  	[sflag:s16] =	ssyncset.done $0x0  }
0x1f: {  	s31 =	simm.s32 $0x2800;
	[sflag:s16] =	ssyncadd.s32 $0xFFFFC000  }
0x20: {  	[spmem:s2] =	stream.indirect.scatter.add.f32 [tilespmem:s15], [sflag:$0x2], $0x80, s31, s14, $0xb8;
	[tilespmem:$0x9400] =	vst v63  }
0x21: {  	_ =	swait.ge [sflag:s12], $0x4000  }
0x22: {  	s19 =	simm.s32 $0x400;
	s18 =	simm.s32 $0x200;
	[sflag:s12] =	ssyncset.done $0x0  }
.LBB2_2:
0x23: {  	s20 =	sshra.s32 s18, $0x2  }
0x24: {  	[sflag:s12] =	ssyncadd.s32 $0xFFFFC000;
	s18 =	smov.u32 s19;
	s21 =	sadd.s32 $0x200, s19  }
0x25: {  	[tilespmem:s15], [sflag:$0x1] =	stream.indirect.gather [hbm4b:s4+s14], $0x80, s20, s14, $0xb8;
	[tilespmem:$0x9400] =	vst v63  }
0x26: {  	p0 =	sne.s32 s19, $0x9C00;
	_ =	swait.ge [sflag:s16], $0x4000  }
.Ltmp0:
0x27: {  	[sflag:s16] =	ssyncset.done $0x0;
	(pc) =	sbr.rel @p0 .LBB2_2-.Ltmp0, $4  }
0x28: {  	s19 =	sadd.s32 $0x2800, s20;
	[sflag:s16] =	ssyncadd.s32 $0xFFFFC000  }
0x29: {  	[spmem:s2] =	stream.indirect.scatter.add.f32 [tilespmem:s15], [sflag:$0x2], $0x80, s19, s14, $0xb8;
	[tilespmem:$0x9400] =	vst v63  }
0x2a: {  	_ =	swait.ge [sflag:s12], $0x4000  }
0x2b: {  	s19 =	smov.u32 s21;
	[sflag:s12] =	ssyncset.done $0x0  }
0x2c: {  	s18 =	sshra.s32 s18, $0x2;
	[sflag:s12] =	ssyncadd.s32 $0xFFFFC000  }
0x2d: {  	[tilespmem:s15], [sflag:$0x1] =	stream.indirect.gather [hbm4b:s4+s14], $0x80, s18, s14, $0xb8;
	[tilespmem:$0x9400] =	vst v63  }
0x2e: {  	_ =	swait.ge [sflag:s16], $0x4000  }
0x2f: {  	[sflag:s16] =	ssyncset.done $0x0  }
0x30: {  	s18 =	sadd.s32 $0x2800, s18;
	[sflag:s16] =	ssyncadd.s32 $0xFFFFC000  }
0x31: {  	[spmem:s2] =	stream.indirect.scatter.add.f32 [tilespmem:s15], [sflag:$0x2], $0x80, s18, s14, $0xb8;
	[tilespmem:$0x9400] =	vst v63  }
0x32: {  	_ =	swait.ge [sflag:s12], $0x4000  }
0x33: {  	s17 =	sadd.s32 $0x1, s17;
	[sflag:s12] =	ssyncset.done $0x0  }
0x34: {  	p0 =	sne.s32 s17, s10;
	[sflag:s12] =	ssyncadd.s32 $0xFFFFC000  }
.Ltmp1:
0x35: {  	[bflag:$0x0] =	sbarrier.arrive $0xFFFF;
	(pc) =	sbr.rel @p0 .LBB2_1-.Ltmp1, $4  }
0x36: {  	[hbm:s9], [sflag:s6] =	dma.local [spmem:s11], $0x80  }
0x37: {  	_ =	swait.ge [sflag:s12], $0x80  }
0x38: {  	[sflag:s12] =	ssyncset.done $0x0  }
0x39: {  	[sflag:s12] =	ssyncadd.s32 $0xFFFFFF80  }
0x3a: {  	_ =	sfence.sel $0x180000  }
0x3b: {  	[bflag:$0x0] =	sbarrier.arrive $0xFFFF  }
0x3c: {  	p0 =	sne.s32 s1, $0x0;
	_ =	strace $0x90000047  }
0x3d: {  	s0 =	sadd.s32 @!p0 $0x100000, s0;
	[bflag:$0x2] =	sbarrier.arrive $0xFFFF  }
0x3e: {  	[sflag:s0] =	ssyncadd.tile.s32 @!p0 $0x1;
	_ =	shalt  }
.Lfunc_end2:
_tile_overlayer_lowered:
.L_overlay_start_2:
0x3f: {  	(tag) =	ssettag $0x2  }
0x40: {  	s0 =	rddreg [dreg:$0x0];
	s2 =	stileid.u32  }
0x41: {  	s1 =	rddreg [dreg:$0x1];
	p0 =	sne.s32 s2, $0x0  }
0x42: {  	s3 =	rddreg [dreg:$0x2];
	[bflag:$0x3] =	sbarrier.arrive $0xFFFF;
	s2 =	simm.s32 @!p0 $0x1C02  }
0x43: {  	[timem:s3], [sflag:s2] =	dma.local @!p0 [hbm:s0], s1  }
0x44: {  	s0 =	simm.s32 @!p0 $0x2  }
0x45: {  	_ =	swait.ge @!p0 [sflag:s0], s1  }
0x46: {  	s1 =	ssub.s32 @!p0 $0x0, s1;
	[sflag:s0] =	ssyncset.done @!p0 $0x0  }
0x47: {  	[sflag:s0] =	ssyncadd.s32 @!p0 s1  }
0x48: {  	[bflag:$0x3] =	sbarrier.arrive $0xFFFF  }
0x49: {  	_ =	shalt  }

</sc_bundles>
